<compile_context>
chip_gen: v7x
topology: tpu7x:2x2x1
jax: 0.10.2.dev20260603
libtpu: 0.0.44.dev20260713+nightly
codegen_flags: <defaults>
</compile_context>

<pallas_src>
import functools

import jax
import jax.numpy as jnp
from jax import lax
from jax.experimental import pallas as pl
from jax.experimental.pallas import tpu as pltpu
from jax.experimental.pallas import tpu_sc as plsc

HID_DIM = 128
CHUNK = 128
NBUF = 7


def _make_gather(b, s):
    info = plsc.get_sparse_core_info()
    nc, ns = info.num_cores, info.num_subcores
    nw = nc * ns
    n_idx = b * s
    per_w = n_idx // nw
    n_chunks = per_w // CHUNK
    n_streams = 2 * n_chunks
    w_per_b = s // per_w

    mesh = plsc.VectorSubcoreMesh(core_axis_name="c", subcore_axis_name="s")
    out_sds = jax.ShapeDtypeStruct((n_idx, HID_DIM), jnp.float32)

    @functools.partial(
        pl.kernel,
        mesh=mesh,
        out_type=(out_sds, out_sds),
        scratch_types=[
            pltpu.VMEM((per_w,), jnp.int32),
            pltpu.VMEM((NBUF, CHUNK, HID_DIM), jnp.float32),
            pltpu.SemaphoreType.DMA((NBUF,)),
            pltpu.SemaphoreType.DMA((NBUF,)),
        ],
    )
    def gather_kernel(cos_hbm, sin_hbm, idx_hbm, cos_out, sin_out,
                      idx_v, rows, sem_in, sem_out):
        wid = lax.axis_index("s") * nc + lax.axis_index("c")
        batch = wid // w_per_b
        col0 = (wid % w_per_b) * per_w
        pltpu.sync_copy(idx_hbm.at[batch, pl.ds(col0, per_w)], idx_v)

        tbls = (cos_hbm, sin_hbm)
        outs = (cos_out, sin_out)
        gathers = {}
        writes = {}

        def issue_gather(k):
            bf = k % NBUF
            gathers[k] = pltpu.async_copy(
                tbls[k % 2].at[idx_v.at[pl.ds((k // 2) * CHUNK, CHUNK)]],
                rows.at[bf], sem_in.at[bf])

        def issue_write(k):
            bf = k % NBUF
            base = (wid * n_chunks + k // 2) * CHUNK
            writes[k] = pltpu.async_copy(
                rows.at[bf], outs[k % 2].at[pl.ds(base, CHUNK)], sem_out.at[bf])

        pre = NBUF - 1
        for k in range(min(pre, n_streams)):
            issue_gather(k)
        for k in range(n_streams):
            if k + pre < n_streams:
                if k >= 1:
                    writes[k - 1].wait()
                issue_gather(k + pre)
            gathers[k].wait()
            issue_write(k)
        for k in range(max(0, n_streams - pre - 1), n_streams):
            writes[k].wait()

    return gather_kernel


@jax.jit
def kernel(posi_idx, cos_cached, sin_cached):
    b, s = posi_idx.shape
    cos_flat, sin_flat = _make_gather(b, s)(
        cos_cached, sin_cached, posi_idx.astype(jnp.int32))
    return (cos_flat.reshape(b, s, HID_DIM), sin_flat.reshape(b, s, HID_DIM))

# --- scband reference (transcript-rebuilt; emitter-appended) ---
"""Pipeline reference for scband-rotary-embedding-11321533792333 (READ-ONLY COPY).

The authoritative reference and input builder live on the scoring server;
editing this copy changes nothing except your own understanding.
"""

import jax, jax.numpy as jnp
import numpy as np

HID_DIM = 128
THETA_BASE = 1000000.0
MAX_SEQ_LEN = 8192
B = 4
S = 8192


def _build_tables():
    inv_freq = 1.0 / (THETA_BASE ** (jnp.arange(0, HID_DIM, 2, dtype=jnp.float32) / HID_DIM))
    t = jnp.arange(MAX_SEQ_LEN, dtype=jnp.float32)
    freq = jnp.outer(t, inv_freq)
    emb = jnp.concatenate((freq, freq), axis=-1)
    return jnp.cos(emb), jnp.sin(emb)


def setup_inputs(seed: int = 0) -> dict:
    key = jax.random.key(seed)
    posi_idx = jax.random.randint(key, (B, S), 0, MAX_SEQ_LEN, dtype=jnp.int64 if jax.config.jax_enable_x64 else jnp.int32)
    cos_cached, sin_cached = _build_tables()
    return {"posi_idx": posi_idx, "cos_cached": cos_cached, "sin_cached": sin_cached}


def reference(posi_idx, cos_cached, sin_cached):
    # Faithful translation of RotaryEmbedding.forward: table lookup (gather) on position indices.
    cos = jnp.take(cos_cached, posi_idx, axis=0)
    sin = jnp.take(sin_cached, posi_idx, axis=0)
    return (cos, sin)

if __name__ == "__main__":
    import jax
    _d = setup_inputs()
    print(jax.jit(kernel)(*tuple(_d.values())))

</pallas_src>

<mosaic_0001>
#map = affine_map<(d0, d1) -> (0, 0)>
module attributes {stable_mosaic.version = 14 : i64} {
  func.func @gather_kernel(%arg0: i32, %arg1: i32, %arg2: memref<8192x128xf32, #tpu.memory_space<hbm>>, %arg3: memref<8192x128xf32, #tpu.memory_space<hbm>>, %arg4: memref<4x8192xi32, #tpu.memory_space<hbm>>, %arg5: memref<32768x128xf32, #tpu.memory_space<hbm>>, %arg6: memref<32768x128xf32, #tpu.memory_space<hbm>>, %arg7: memref<1024xi32, #tpu.memory_space<vmem>>, %arg8: memref<7x128x128xf32, #tpu.memory_space<vmem>>, %arg9: memref<7x!tpu.dma_semaphore, #tpu.memory_space<semaphore_mem>>, %arg10: memref<7x!tpu.dma_semaphore, #tpu.memory_space<semaphore_mem>>) attributes {dimension_semantics = [#tpu.dimension_semantics<core_parallel>, #tpu.dimension_semantics<subcore_parallel>], iteration_bounds = array<i64: 2, 16>, scalar_prefetch = 0 : i64, scratch_operands = 4 : i64, tpu.core_type = #tpu.core_type<sc_vector_subcore>, window_params = [{transform_indices = #map}, {transform_indices = #map}, {transform_indices = #map}, {transform_indices = #map}, {transform_indices = #map}]} {
    %mul3A = arith.constant 2 : i32
    %mul3A_0 = arith.muli %arg1, %mul3A : i32
    %add3A = arith.addi %mul3A_0, %arg0 : i32
    %jit3A = arith.constant 8 : i32
    %div3A = arith.divsi %add3A, %jit3A : i32
    %sign3A = arith.constant 0 : i32
    %sign3A_1 = arith.cmpi sgt, %add3A, %sign3A : i32
    %sign3A_2 = arith.extui %sign3A_1 : i1 to i32
    %sign3A_3 = arith.constant 0 : i32
    %sign3A_4 = arith.cmpi slt, %add3A, %sign3A_3 : i32
    %sign3A_5 = arith.extui %sign3A_4 : i1 to i32
    %sign3A_6 = arith.subi %sign3A_2, %sign3A_5 : i32
    %sign3A_7 = arith.constant 0 : i32
    %sign3A_8 = arith.cmpi sgt, %jit3A, %sign3A_7 : i32
    %sign3A_9 = arith.extui %sign3A_8 : i1 to i32
    %sign3A_10 = arith.constant 0 : i32
    %sign3A_11 = arith.cmpi slt, %jit3A, %sign3A_10 : i32
    %sign3A_12 = arith.extui %sign3A_11 : i1 to i32
    %sign3A_13 = arith.subi %sign3A_9, %sign3A_12 : i32
    %ne3A = arith.cmpi ne, %sign3A_6, %sign3A_13 : i32
    %rem3A = arith.remsi %add3A, %jit3A : i32
    %ne3A_14 = arith.constant 0 : i32
    %ne3A_15 = arith.cmpi ne, %rem3A, %ne3A_14 : i32
    %and3A = arith.andi %ne3A, %ne3A_15 : i1
    %sub3A = arith.constant 1 : i32
    %sub3A_16 = arith.subi %div3A, %sub3A : i32
    %select_n3A = arith.select %and3A, %sub3A_16, %div3A : i32
    %jit3A_17 = arith.constant 8 : i32
    %eq3A = arith.constant 0 : i32
    %eq3A_18 = arith.cmpi eq, %jit3A_17, %eq3A : i32
    %jit3A_19 = arith.constant 1 : i32
    %select_n3A_20 = arith.select %eq3A_18, %jit3A_19, %jit3A_17 : i32
    %rem3A_21 = arith.remsi %add3A, %select_n3A_20 : i32
    %ne3A_22 = arith.constant 0 : i32
    %ne3A_23 = arith.cmpi ne, %rem3A_21, %ne3A_22 : i32
    %lt3A = arith.constant 0 : i32
    %lt3A_24 = arith.cmpi slt, %rem3A_21, %lt3A : i32
    %lt3A_25 = arith.constant 0 : i32
    %lt3A_26 = arith.cmpi slt, %select_n3A_20, %lt3A_25 : i32
    %ne3A_27 = arith.xori %lt3A_24, %lt3A_26 : i1
    %and3A_28 = arith.andi %ne3A_27, %ne3A_23 : i1
    %add3A_29 = arith.addi %rem3A_21, %select_n3A_20 : i32
    %select_n3A_30 = arith.select %and3A_28, %add3A_29, %rem3A_21 : i32
    %mul3A_31 = arith.constant 1024 : i32
    %mul3A_32 = arith.muli %select_n3A_30, %mul3A_31 : i32
    "tpu.region"() ({
      %run_scoped3A = tpu.sem_alloc : memref<!tpu.dma_semaphore, #tpu.memory_space<semaphore_mem>>
      %dma_start3A_1055 = tpu.memref_slice %arg4[%select_n3A, %mul3A_32] : memref<4x8192xi32, #tpu.memory_space<hbm>> -> memref<1x1024xi32, #tpu.memory_space<hbm>>
      %dma_start3A_1056 = tpu.memref_squeeze %dma_start3A_1055 : memref<1x1024xi32, #tpu.memory_space<hbm>> -> memref<1024xi32, #tpu.memory_space<hbm>>
      %dma_start3A_1057 = tpu.memref_slice %arg4[%select_n3A, %mul3A_32] : memref<4x8192xi32, #tpu.memory_space<hbm>> -> memref<1x1024xi32, #tpu.memory_space<hbm>>
      %dma_start3A_1058 = tpu.memref_squeeze %dma_start3A_1057 : memref<1x1024xi32, #tpu.memory_space<hbm>> -> memref<1024xi32, #tpu.memory_space<hbm>>
      tpu.enqueue_dma source(%dma_start3A_1058 : memref<1024xi32, #tpu.memory_space<hbm>>) target(%arg7 : memref<1024xi32, #tpu.memory_space<vmem>>) target_semaphore(%run_scoped3A : memref<!tpu.dma_semaphore, #tpu.memory_space<semaphore_mem>>)
      %dma_wait3A_1059 = tpu.memref_slice %arg4[%select_n3A, %mul3A_32] : memref<4x8192xi32, #tpu.memory_space<hbm>> -> memref<1x1024xi32, #tpu.memory_space<hbm>>
      %dma_wait3A_1060 = tpu.memref_squeeze %dma_wait3A_1059 : memref<1x1024xi32, #tpu.memory_space<hbm>> -> memref<1024xi32, #tpu.memory_space<hbm>>
      %dma_wait3A_1061 = tpu.memref_slice %arg4[%select_n3A, %mul3A_32] : memref<4x8192xi32, #tpu.memory_space<hbm>> -> memref<1x1024xi32, #tpu.memory_space<hbm>>
      %dma_wait3A_1062 = tpu.memref_squeeze %dma_wait3A_1061 : memref<1x1024xi32, #tpu.memory_space<hbm>> -> memref<1024xi32, #tpu.memory_space<hbm>>
      tpu.wait_dma2 semaphore(%run_scoped3A : memref<!tpu.dma_semaphore, #tpu.memory_space<semaphore_mem>>) src(%dma_wait3A_1062 : memref<1024xi32, #tpu.memory_space<hbm>>) dst(%arg7 : memref<1024xi32, #tpu.memory_space<vmem>>)
      tpu.yield
    }) : () -> ()
    %dma_start3A = arith.constant 0 : i32
    %dma_start3A_33 = arith.constant 0 : i32
    %dma_start3A_34 = arith.constant 0 : i32
    %dma_start3A_35 = arith.constant 0 : i32
    %dma_start3A_36 = tpu.memref_slice %arg8[%dma_start3A, %dma_start3A_34, %dma_start3A_35] : memref<7x128x128xf32, #tpu.memory_space<vmem>> -> memref<1x128x128xf32, #tpu.memory_space<vmem>>
    %dma_start3A_37 = tpu.memref_squeeze %dma_start3A_36 : memref<1x128x128xf32, #tpu.memory_space<vmem>> -> memref<128x128xf32, #tpu.memory_space<vmem>>
    %dma_start3A_38 = arith.constant 0 : i32
    %dma_start3A_39 = tpu.memref_slice %arg7[%dma_start3A_38] : memref<1024xi32, #tpu.memory_space<vmem>> -> memref<128xi32, #tpu.memory_space<vmem>>
    %dma_start3A_40 = arith.constant 0 : i32
    %dma_start3A_41 = arith.constant 0 : i32
    %dma_start3A_42 = tpu.memref_slice %arg2[%dma_start3A_40, %dma_start3A_41] : memref<8192x128xf32, #tpu.memory_space<hbm>> -> memref<8192x128xf32, #tpu.memory_space<hbm>>
    %dma_start3A_43 = tpu.memref_slice %arg9[%dma_start3A_33] : memref<7x!tpu.dma_semaphore, #tpu.memory_space<semaphore_mem>> -> memref<1x!tpu.dma_semaphore, #tpu.memory_space<semaphore_mem>>
    %dma_start3A_44 = tpu.memref_squeeze %dma_start3A_43 : memref<1x!tpu.dma_semaphore, #tpu.memory_space<semaphore_mem>> -> memref<!tpu.dma_semaphore, #tpu.memory_space<semaphore_mem>>
    tpu.enqueue_indirect_dma source(%dma_start3A_42 : memref<8192x128xf32, #tpu.memory_space<hbm>>) target(%dma_start3A_37 : memref<128x128xf32, #tpu.memory_space<vmem>>) offsets(%dma_start3A_39 : memref<128xi32, #tpu.memory_space<vmem>>) semaphore(%dma_start3A_44 : memref<!tpu.dma_semaphore, #tpu.memory_space<semaphore_mem>>)
    %dma_start3A_45 = arith.constant 1 : i32
    %dma_start3A_46 = arith.constant 1 : i32
    %dma_start3A_47 = arith.constant 0 : i32
    %dma_start3A_48 = arith.constant 0 : i32
    %dma_start3A_49 = tpu.memref_slice %arg8[%dma_start3A_45, %dma_start3A_47, %dma_start3A_48] : memref<7x128x128xf32, #tpu.memory_space<vmem>> -> memref<1x128x128xf32, #tpu.memory_space<vmem>>
    %dma_start3A_50 = tpu.memref_squeeze %dma_start3A_49 : memref<1x128x128xf32, #tpu.memory_space<vmem>> -> memref<128x128xf32, #tpu.memory_space<vmem>>
    %dma_start3A_51 = arith.constant 0 : i32
    %dma_start3A_52 = tpu.memref_slice %arg7[%dma_start3A_51] : memref<1024xi32, #tpu.memory_space<vmem>> -> memref<128xi32, #tpu.memory_space<vmem>>
    %dma_start3A_53 = arith.constant 0 : i32
    %dma_start3A_54 = arith.constant 0 : i32
    %dma_start3A_55 = tpu.memref_slice %arg3[%dma_start3A_53, %dma_start3A_54] : memref<8192x128xf32, #tpu.memory_space<hbm>> -> memref<8192x128xf32, #tpu.memory_space<hbm>>
    %dma_start3A_56 = tpu.memref_slice %arg9[%dma_start3A_46] : memref<7x!tpu.dma_semaphore, #tpu.memory_space<semaphore_mem>> -> memref<1x!tpu.dma_semaphore, #tpu.memory_space<semaphore_mem>>
    %dma_start3A_57 = tpu.memref_squeeze %dma_start3A_56 : memref<1x!tpu.dma_semaphore, #tpu.memory_space<semaphore_mem>> -> memref<!tpu.dma_semaphore, #tpu.memory_space<semaphore_mem>>
    tpu.enqueue_indirect_dma source(%dma_start3A_55 : memref<8192x128xf32, #tpu.memory_space<hbm>>) target(%dma_start3A_50 : memref<128x128xf32, #tpu.memory_space<vmem>>) offsets(%dma_start3A_52 : memref<128xi32, #tpu.memory_space<vmem>>) semaphore(%dma_start3A_57 : memref<!tpu.dma_semaphore, #tpu.memory_space<semaphore_mem>>)
    %dma_start3A_58 = arith.constant 2 : i32
    %dma_start3A_59 = arith.constant 2 : i32
    %dma_start3A_60 = arith.constant 0 : i32
    %dma_start3A_61 = arith.constant 0 : i32
    %dma_start3A_62 = tpu.memref_slice %arg8[%dma_start3A_58, %dma_start3A_60, %dma_start3A_61] : memref<7x128x128xf32, #tpu.memory_space<vmem>> -> memref<1x128x128xf32, #tpu.memory_space<vmem>>
    %dma_start3A_63 = tpu.memref_squeeze %dma_start3A_62 : memref<1x128x128xf32, #tpu.memory_space<vmem>> -> memref<128x128xf32, #tpu.memory_space<vmem>>
    %dma_start3A_64 = arith.constant 128 : i32
    %dma_start3A_65 = tpu.memref_slice %arg7[%dma_start3A_64] : memref<1024xi32, #tpu.memory_space<vmem>> -> memref<128xi32, #tpu.memory_space<vmem>>
    %dma_start3A_66 = arith.constant 0 : i32
    %dma_start3A_67 = arith.constant 0 : i32
    %dma_start3A_68 = tpu.memref_slice %arg2[%dma_start3A_66, %dma_start3A_67] : memref<8192x128xf32, #tpu.memory_space<hbm>> -> memref<8192x128xf32, #tpu.memory_space<hbm>>
    %dma_start3A_69 = tpu.memref_slice %arg9[%dma_start3A_59] : memref<7x!tpu.dma_semaphore, #tpu.memory_space<semaphore_mem>> -> memref<1x!tpu.dma_semaphore, #tpu.memory_space<semaphore_mem>>
    %dma_start3A_70 = tpu.memref_squeeze %dma_start3A_69 : memref<1x!tpu.dma_semaphore, #tpu.memory_space<semaphore_mem>> -> memref<!tpu.dma_semaphore, #tpu.memory_space<semaphore_mem>>
    tpu.enqueue_indirect_dma source(%dma_start3A_68 : memref<8192x128xf32, #tpu.memory_space<hbm>>) target(%dma_start3A_63 : memref<128x128xf32, #tpu.memory_space<vmem>>) offsets(%dma_start3A_65 : memref<128xi32, #tpu.memory_space<vmem>>) semaphore(%dma_start3A_70 : memref<!tpu.dma_semaphore, #tpu.memory_space<semaphore_mem>>)
    %dma_start3A_71 = arith.constant 3 : i32
    %dma_start3A_72 = arith.constant 3 : i32
    %dma_start3A_73 = arith.constant 0 : i32
    %dma_start3A_74 = arith.constant 0 : i32
    %dma_start3A_75 = tpu.memref_slice %arg8[%dma_start3A_71, %dma_start3A_73, %dma_start3A_74] : memref<7x128x128xf32, #tpu.memory_space<vmem>> -> memref<1x128x128xf32, #tpu.memory_space<vmem>>
    %dma_start3A_76 = tpu.memref_squeeze %dma_start3A_75 : memref<1x128x128xf32, #tpu.memory_space<vmem>> -> memref<128x128xf32, #tpu.memory_space<vmem>>
    %dma_start3A_77 = arith.constant 128 : i32
    %dma_start3A_78 = tpu.memref_slice %arg7[%dma_start3A_77] : memref<1024xi32, #tpu.memory_space<vmem>> -> memref<128xi32, #tpu.memory_space<vmem>>
    %dma_start3A_79 = arith.constant 0 : i32
    %dma_start3A_80 = arith.constant 0 : i32
    %dma_start3A_81 = tpu.memref_slice %arg3[%dma_start3A_79, %dma_start3A_80] : memref<8192x128xf32, #tpu.memory_space<hbm>> -> memref<8192x128xf32, #tpu.memory_space<hbm>>
    %dma_start3A_82 = tpu.memref_slice %arg9[%dma_start3A_72] : memref<7x!tpu.dma_semaphore, #tpu.memory_space<semaphore_mem>> -> memref<1x!tpu.dma_semaphore, #tpu.memory_space<semaphore_mem>>
    %dma_start3A_83 = tpu.memref_squeeze %dma_start3A_82 : memref<1x!tpu.dma_semaphore, #tpu.memory_space<semaphore_mem>> -> memref<!tpu.dma_semaphore, #tpu.memory_space<semaphore_mem>>
    tpu.enqueue_indirect_dma source(%dma_start3A_81 : memref<8192x128xf32, #tpu.memory_space<hbm>>) target(%dma_start3A_76 : memref<128x128xf32, #tpu.memory_space<vmem>>) offsets(%dma_start3A_78 : memref<128xi32, #tpu.memory_space<vmem>>) semaphore(%dma_start3A_83 : memref<!tpu.dma_semaphore, #tpu.memory_space<semaphore_mem>>)
    %dma_start3A_84 = arith.constant 4 : i32
    %dma_start3A_85 = arith.constant 4 : i32
    %dma_start3A_86 = arith.constant 0 : i32
    %dma_start3A_87 = arith.constant 0 : i32
    %dma_start3A_88 = tpu.memref_slice %arg8[%dma_start3A_84, %dma_start3A_86, %dma_start3A_87] : memref<7x128x128xf32, #tpu.memory_space<vmem>> -> memref<1x128x128xf32, #tpu.memory_space<vmem>>
    %dma_start3A_89 = tpu.memref_squeeze %dma_start3A_88 : memref<1x128x128xf32, #tpu.memory_space<vmem>> -> memref<128x128xf32, #tpu.memory_space<vmem>>
    %dma_start3A_90 = arith.constant 256 : i32
    %dma_start3A_91 = tpu.memref_slice %arg7[%dma_start3A_90] : memref<1024xi32, #tpu.memory_space<vmem>> -> memref<128xi32, #tpu.memory_space<vmem>>
    %dma_start3A_92 = arith.constant 0 : i32
    %dma_start3A_93 = arith.constant 0 : i32
    %dma_start3A_94 = tpu.memref_slice %arg2[%dma_start3A_92, %dma_start3A_93] : memref<8192x128xf32, #tpu.memory_space<hbm>> -> memref<8192x128xf32, #tpu.memory_space<hbm>>
    %dma_start3A_95 = tpu.memref_slice %arg9[%dma_start3A_85] : memref<7x!tpu.dma_semaphore, #tpu.memory_space<semaphore_mem>> -> memref<1x!tpu.dma_semaphore, #tpu.memory_space<semaphore_mem>>
    %dma_start3A_96 = tpu.memref_squeeze %dma_start3A_95 : memref<1x!tpu.dma_semaphore, #tpu.memory_space<semaphore_mem>> -> memref<!tpu.dma_semaphore, #tpu.memory_space<semaphore_mem>>
    tpu.enqueue_indirect_dma source(%dma_start3A_94 : memref<8192x128xf32, #tpu.memory_space<hbm>>) target(%dma_start3A_89 : memref<128x128xf32, #tpu.memory_space<vmem>>) offsets(%dma_start3A_91 : memref<128xi32, #tpu.memory_space<vmem>>) semaphore(%dma_start3A_96 : memref<!tpu.dma_semaphore, #tpu.memory_space<semaphore_mem>>)
    %dma_start3A_97 = arith.constant 5 : i32
    %dma_start3A_98 = arith.constant 5 : i32
    %dma_start3A_99 = arith.constant 0 : i32
    %dma_start3A_100 = arith.constant 0 : i32
    %dma_start3A_101 = tpu.memref_slice %arg8[%dma_start3A_97, %dma_start3A_99, %dma_start3A_100] : memref<7x128x128xf32, #tpu.memory_space<vmem>> -> memref<1x128x128xf32, #tpu.memory_space<vmem>>
    %dma_start3A_102 = tpu.memref_squeeze %dma_start3A_101 : memref<1x128x128xf32, #tpu.memory_space<vmem>> -> memref<128x128xf32, #tpu.memory_space<vmem>>
    %dma_start3A_103 = arith.constant 256 : i32
    %dma_start3A_104 = tpu.memref_slice %arg7[%dma_start3A_103] : memref<1024xi32, #tpu.memory_space<vmem>> -> memref<128xi32, #tpu.memory_space<vmem>>
    %dma_start3A_105 = arith.constant 0 : i32
    %dma_start3A_106 = arith.constant 0 : i32
    %dma_start3A_107 = tpu.memref_slice %arg3[%dma_start3A_105, %dma_start3A_106] : memref<8192x128xf32, #tpu.memory_space<hbm>> -> memref<8192x128xf32, #tpu.memory_space<hbm>>
    %dma_start3A_108 = tpu.memref_slice %arg9[%dma_start3A_98] : memref<7x!tpu.dma_semaphore, #tpu.memory_space<semaphore_mem>> -> memref<1x!tpu.dma_semaphore, #tpu.memory_space<semaphore_mem>>
    %dma_start3A_109 = tpu.memref_squeeze %dma_start3A_108 : memref<1x!tpu.dma_semaphore, #tpu.memory_space<semaphore_mem>> -> memref<!tpu.dma_semaphore, #tpu.memory_space<semaphore_mem>>
    tpu.enqueue_indirect_dma source(%dma_start3A_107 : memref<8192x128xf32, #tpu.memory_space<hbm>>) target(%dma_start3A_102 : memref<128x128xf32, #tpu.memory_space<vmem>>) offsets(%dma_start3A_104 : memref<128xi32, #tpu.memory_space<vmem>>) semaphore(%dma_start3A_109 : memref<!tpu.dma_semaphore, #tpu.memory_space<semaphore_mem>>)
    %dma_start3A_110 = arith.constant 6 : i32
    %dma_start3A_111 = arith.constant 6 : i32
    %dma_start3A_112 = arith.constant 0 : i32
    %dma_start3A_113 = arith.constant 0 : i32
    %dma_start3A_114 = tpu.memref_slice %arg8[%dma_start3A_110, %dma_start3A_112, %dma_start3A_113] : memref<7x128x128xf32, #tpu.memory_space<vmem>> -> memref<1x128x128xf32, #tpu.memory_space<vmem>>
    %dma_start3A_115 = tpu.memref_squeeze %dma_start3A_114 : memref<1x128x128xf32, #tpu.memory_space<vmem>> -> memref<128x128xf32, #tpu.memory_space<vmem>>
    %dma_start3A_116 = arith.constant 384 : i32
    %dma_start3A_117 = tpu.memref_slice %arg7[%dma_start3A_116] : memref<1024xi32, #tpu.memory_space<vmem>> -> memref<128xi32, #tpu.memory_space<vmem>>
    %dma_start3A_118 = arith.constant 0 : i32
    %dma_start3A_119 = arith.constant 0 : i32
    %dma_start3A_120 = tpu.memref_slice %arg2[%dma_start3A_118, %dma_start3A_119] : memref<8192x128xf32, #tpu.memory_space<hbm>> -> memref<8192x128xf32, #tpu.memory_space<hbm>>
    %dma_start3A_121 = tpu.memref_slice %arg9[%dma_start3A_111] : memref<7x!tpu.dma_semaphore, #tpu.memory_space<semaphore_mem>> -> memref<1x!tpu.dma_semaphore, #tpu.memory_space<semaphore_mem>>
    %dma_start3A_122 = tpu.memref_squeeze %dma_start3A_121 : memref<1x!tpu.dma_semaphore, #tpu.memory_space<semaphore_mem>> -> memref<!tpu.dma_semaphore, #tpu.memory_space<semaphore_mem>>
    tpu.enqueue_indirect_dma source(%dma_start3A_120 : memref<8192x128xf32, #tpu.memory_space<hbm>>) target(%dma_start3A_115 : memref<128x128xf32, #tpu.memory_space<vmem>>) offsets(%dma_start3A_117 : memref<128xi32, #tpu.memory_space<vmem>>) semaphore(%dma_start3A_122 : memref<!tpu.dma_semaphore, #tpu.memory_space<semaphore_mem>>)
    %dma_wait3A = arith.constant 0 : i32
    %dma_wait3A_123 = arith.constant 0 : i32
    %dma_wait3A_124 = arith.constant 0 : i32
    %dma_wait3A_125 = arith.constant 0 : i32
    %dma_wait3A_126 = tpu.memref_slice %arg8[%dma_wait3A, %dma_wait3A_124, %dma_wait3A_125] : memref<7x128x128xf32, #tpu.memory_space<vmem>> -> memref<1x128x128xf32, #tpu.memory_space<vmem>>
    %dma_wait3A_127 = tpu.memref_squeeze %dma_wait3A_126 : memref<1x128x128xf32, #tpu.memory_space<vmem>> -> memref<128x128xf32, #tpu.memory_space<vmem>>
    %dma_wait3A_128 = arith.constant 0 : i32
    %dma_wait3A_129 = tpu.memref_slice %arg7[%dma_wait3A_128] : memref<1024xi32, #tpu.memory_space<vmem>> -> memref<128xi32, #tpu.memory_space<vmem>>
    %dma_wait3A_130 = arith.constant 0 : i32
    %dma_wait3A_131 = arith.constant 0 : i32
    %dma_wait3A_132 = tpu.memref_slice %arg2[%dma_wait3A_130, %dma_wait3A_131] : memref<8192x128xf32, #tpu.memory_space<hbm>> -> memref<8192x128xf32, #tpu.memory_space<hbm>>
    %dma_wait3A_133 = tpu.memref_slice %arg9[%dma_wait3A_123] : memref<7x!tpu.dma_semaphore, #tpu.memory_space<semaphore_mem>> -> memref<1x!tpu.dma_semaphore, #tpu.memory_space<semaphore_mem>>
    %dma_wait3A_134 = tpu.memref_squeeze %dma_wait3A_133 : memref<1x!tpu.dma_semaphore, #tpu.memory_space<semaphore_mem>> -> memref<!tpu.dma_semaphore, #tpu.memory_space<semaphore_mem>>
    tpu.wait_indirect_dma semaphore(%dma_wait3A_134 : memref<!tpu.dma_semaphore, #tpu.memory_space<semaphore_mem>>) src(%dma_wait3A_132 : memref<8192x128xf32, #tpu.memory_space<hbm>>) dst(%dma_wait3A_127 : memref<128x128xf32, #tpu.memory_space<vmem>>)
    %mul3A_135 = arith.constant 8 : i32
    %mul3A_136 = arith.muli %add3A, %mul3A_135 : i32
    %add3A_137 = arith.constant 0 : i32
    %add3A_138 = arith.addi %mul3A_136, %add3A_137 : i32
    %mul3A_139 = arith.constant 128 : i32
    %mul3A_140 = arith.muli %add3A_138, %mul3A_139 : i32
    %dma_start3A_141 = arith.constant 0 : i32
    %dma_start3A_142 = arith.constant 0 : i32
    %dma_start3A_143 = arith.constant 0 : i32
    %dma_start3A_144 = arith.constant 0 : i32
    %dma_start3A_145 = tpu.memref_slice %arg8[%dma_start3A_141, %dma_start3A_143, %dma_start3A_144] : memref<7x128x128xf32, #tpu.memory_space<vmem>> -> memref<1x128x128xf32, #tpu.memory_space<vmem>>
    %dma_start3A_146 = tpu.memref_squeeze %dma_start3A_145 : memref<1x128x128xf32, #tpu.memory_space<vmem>> -> memref<128x128xf32, #tpu.memory_space<vmem>>
    %dma_start3A_147 = arith.constant 0 : i32
    %dma_start3A_148 = tpu.memref_slice %arg5[%mul3A_140, %dma_start3A_147] : memref<32768x128xf32, #tpu.memory_space<hbm>> -> memref<128x128xf32, #tpu.memory_space<hbm>>
    %dma_start3A_149 = tpu.memref_slice %arg10[%dma_start3A_142] : memref<7x!tpu.dma_semaphore, #tpu.memory_space<semaphore_mem>> -> memref<1x!tpu.dma_semaphore, #tpu.memory_space<semaphore_mem>>
    %dma_start3A_150 = tpu.memref_squeeze %dma_start3A_149 : memref<1x!tpu.dma_semaphore, #tpu.memory_space<semaphore_mem>> -> memref<!tpu.dma_semaphore, #tpu.memory_space<semaphore_mem>>
    %dma_start3A_151 = arith.constant 0 : i32
    %dma_start3A_152 = tpu.memref_slice %arg5[%mul3A_140, %dma_start3A_151] : memref<32768x128xf32, #tpu.memory_space<hbm>> -> memref<128x128xf32, #tpu.memory_space<hbm>>
    %dma_start3A_153 = arith.constant 0 : i32
    %dma_start3A_154 = arith.constant 0 : i32
    %dma_start3A_155 = tpu.memref_slice %arg8[%dma_start3A_141, %dma_start3A_153, %dma_start3A_154] : memref<7x128x128xf32, #tpu.memory_space<vmem>> -> memref<1x128x128xf32, #tpu.memory_space<vmem>>
    %dma_start3A_156 = tpu.memref_squeeze %dma_start3A_155 : memref<1x128x128xf32, #tpu.memory_space<vmem>> -> memref<128x128xf32, #tpu.memory_space<vmem>>
    tpu.enqueue_dma source(%dma_start3A_156 : memref<128x128xf32, #tpu.memory_space<vmem>>) target(%dma_start3A_152 : memref<128x128xf32, #tpu.memory_space<hbm>>) target_semaphore(%dma_start3A_150 : memref<!tpu.dma_semaphore, #tpu.memory_space<semaphore_mem>>)
    %dma_wait3A_157 = arith.constant 0 : i32
    %dma_wait3A_158 = arith.constant 0 : i32
    %dma_wait3A_159 = arith.constant 0 : i32
    %dma_wait3A_160 = arith.constant 0 : i32
    %dma_wait3A_161 = tpu.memref_slice %arg8[%dma_wait3A_157, %dma_wait3A_159, %dma_wait3A_160] : memref<7x128x128xf32, #tpu.memory_space<vmem>> -> memref<1x128x128xf32, #tpu.memory_space<vmem>>
    %dma_wait3A_162 = tpu.memref_squeeze %dma_wait3A_161 : memref<1x128x128xf32, #tpu.memory_space<vmem>> -> memref<128x128xf32, #tpu.memory_space<vmem>>
    %dma_wait3A_163 = arith.constant 0 : i32
    %dma_wait3A_164 = tpu.memref_slice %arg5[%mul3A_140, %dma_wait3A_163] : memref<32768x128xf32, #tpu.memory_space<hbm>> -> memref<128x128xf32, #tpu.memory_space<hbm>>
    %dma_wait3A_165 = tpu.memref_slice %arg10[%dma_wait3A_158] : memref<7x!tpu.dma_semaphore, #tpu.memory_space<semaphore_mem>> -> memref<1x!tpu.dma_semaphore, #tpu.memory_space<semaphore_mem>>
    %dma_wait3A_166 = tpu.memref_squeeze %dma_wait3A_165 : memref<1x!tpu.dma_semaphore, #tpu.memory_space<semaphore_mem>> -> memref<!tpu.dma_semaphore, #tpu.memory_space<semaphore_mem>>
    %dma_wait3A_167 = arith.constant 0 : i32
    %dma_wait3A_168 = tpu.memref_slice %arg5[%mul3A_140, %dma_wait3A_167] : memref<32768x128xf32, #tpu.memory_space<hbm>> -> memref<128x128xf32, #tpu.memory_space<hbm>>
    %dma_wait3A_169 = arith.constant 0 : i32
    %dma_wait3A_170 = arith.constant 0 : i32
    %dma_wait3A_171 = tpu.memref_slice %arg8[%dma_wait3A_157, %dma_wait3A_169, %dma_wait3A_170] : memref<7x128x128xf32, #tpu.memory_space<vmem>> -> memref<1x128x128xf32, #tpu.memory_space<vmem>>
    %dma_wait3A_172 = tpu.memref_squeeze %dma_wait3A_171 : memref<1x128x128xf32, #tpu.memory_space<vmem>> -> memref<128x128xf32, #tpu.memory_space<vmem>>
    tpu.wait_dma2 semaphore(%dma_wait3A_166 : memref<!tpu.dma_semaphore, #tpu.memory_space<semaphore_mem>>) src(%dma_wait3A_172 : memref<128x128xf32, #tpu.memory_space<vmem>>) dst(%dma_wait3A_168 : memref<128x128xf32, #tpu.memory_space<hbm>>)
    %dma_start3A_173 = arith.constant 0 : i32
    %dma_start3A_174 = arith.constant 0 : i32
    %dma_start3A_175 = arith.constant 0 : i32
    %dma_start3A_176 = arith.constant 0 : i32
    %dma_start3A_177 = tpu.memref_slice %arg8[%dma_start3A_173, %dma_start3A_175, %dma_start3A_176] : memref<7x128x128xf32, #tpu.memory_space<vmem>> -> memref<1x128x128xf32, #tpu.memory_space<vmem>>
    %dma_start3A_178 = tpu.memref_squeeze %dma_start3A_177 : memref<1x128x128xf32, #tpu.memory_space<vmem>> -> memref<128x128xf32, #tpu.memory_space<vmem>>
    %dma_start3A_179 = arith.constant 384 : i32
    %dma_start3A_180 = tpu.memref_slice %arg7[%dma_start3A_179] : memref<1024xi32, #tpu.memory_space<vmem>> -> memref<128xi32, #tpu.memory_space<vmem>>
    %dma_start3A_181 = arith.constant 0 : i32
    %dma_start3A_182 = arith.constant 0 : i32
    %dma_start3A_183 = tpu.memref_slice %arg3[%dma_start3A_181, %dma_start3A_182] : memref<8192x128xf32, #tpu.memory_space<hbm>> -> memref<8192x128xf32, #tpu.memory_space<hbm>>
    %dma_start3A_184 = tpu.memref_slice %arg9[%dma_start3A_174] : memref<7x!tpu.dma_semaphore, #tpu.memory_space<semaphore_mem>> -> memref<1x!tpu.dma_semaphore, #tpu.memory_space<semaphore_mem>>
    %dma_start3A_185 = tpu.memref_squeeze %dma_start3A_184 : memref<1x!tpu.dma_semaphore, #tpu.memory_space<semaphore_mem>> -> memref<!tpu.dma_semaphore, #tpu.memory_space<semaphore_mem>>
    tpu.enqueue_indirect_dma source(%dma_start3A_183 : memref<8192x128xf32, #tpu.memory_space<hbm>>) target(%dma_start3A_178 : memref<128x128xf32, #tpu.memory_space<vmem>>) offsets(%dma_start3A_180 : memref<128xi32, #tpu.memory_space<vmem>>) semaphore(%dma_start3A_185 : memref<!tpu.dma_semaphore, #tpu.memory_space<semaphore_mem>>)
    %dma_wait3A_186 = arith.constant 1 : i32
    %dma_wait3A_187 = arith.constant 1 : i32
    %dma_wait3A_188 = arith.constant 0 : i32
    %dma_wait3A_189 = arith.constant 0 : i32
    %dma_wait3A_190 = tpu.memref_slice %arg8[%dma_wait3A_186, %dma_wait3A_188, %dma_wait3A_189] : memref<7x128x128xf32, #tpu.memory_space<vmem>> -> memref<1x128x128xf32, #tpu.memory_space<vmem>>
    %dma_wait3A_191 = tpu.memref_squeeze %dma_wait3A_190 : memref<1x128x128xf32, #tpu.memory_space<vmem>> -> memref<128x128xf32, #tpu.memory_space<vmem>>
    %dma_wait3A_192 = arith.constant 0 : i32
    %dma_wait3A_193 = tpu.memref_slice %arg7[%dma_wait3A_192] : memref<1024xi32, #tpu.memory_space<vmem>> -> memref<128xi32, #tpu.memory_space<vmem>>
    %dma_wait3A_194 = arith.constant 0 : i32
    %dma_wait3A_195 = arith.constant 0 : i32
    %dma_wait3A_196 = tpu.memref_slice %arg3[%dma_wait3A_194, %dma_wait3A_195] : memref<8192x128xf32, #tpu.memory_space<hbm>> -> memref<8192x128xf32, #tpu.memory_space<hbm>>
    %dma_wait3A_197 = tpu.memref_slice %arg9[%dma_wait3A_187] : memref<7x!tpu.dma_semaphore, #tpu.memory_space<semaphore_mem>> -> memref<1x!tpu.dma_semaphore, #tpu.memory_space<semaphore_mem>>
    %dma_wait3A_198 = tpu.memref_squeeze %dma_wait3A_197 : memref<1x!tpu.dma_semaphore, #tpu.memory_space<semaphore_mem>> -> memref<!tpu.dma_semaphore, #tpu.memory_space<semaphore_mem>>
    tpu.wait_indirect_dma semaphore(%dma_wait3A_198 : memref<!tpu.dma_semaphore, #tpu.memory_space<semaphore_mem>>) src(%dma_wait3A_196 : memref<8192x128xf32, #tpu.memory_space<hbm>>) dst(%dma_wait3A_191 : memref<128x128xf32, #tpu.memory_space<vmem>>)
    %mul3A_199 = arith.constant 8 : i32
    %mul3A_200 = arith.muli %add3A, %mul3A_199 : i32
    %add3A_201 = arith.constant 0 : i32
    %add3A_202 = arith.addi %mul3A_200, %add3A_201 : i32
    %mul3A_203 = arith.constant 128 : i32
    %mul3A_204 = arith.muli %add3A_202, %mul3A_203 : i32
    %dma_start3A_205 = arith.constant 1 : i32
    %dma_start3A_206 = arith.constant 1 : i32
    %dma_start3A_207 = arith.constant 0 : i32
    %dma_start3A_208 = arith.constant 0 : i32
    %dma_start3A_209 = tpu.memref_slice %arg8[%dma_start3A_205, %dma_start3A_207, %dma_start3A_208] : memref<7x128x128xf32, #tpu.memory_space<vmem>> -> memref<1x128x128xf32, #tpu.memory_space<vmem>>
    %dma_start3A_210 = tpu.memref_squeeze %dma_start3A_209 : memref<1x128x128xf32, #tpu.memory_space<vmem>> -> memref<128x128xf32, #tpu.memory_space<vmem>>
    %dma_start3A_211 = arith.constant 0 : i32
    %dma_start3A_212 = tpu.memref_slice %arg6[%mul3A_204, %dma_start3A_211] : memref<32768x128xf32, #tpu.memory_space<hbm>> -> memref<128x128xf32, #tpu.memory_space<hbm>>
    %dma_start3A_213 = tpu.memref_slice %arg10[%dma_start3A_206] : memref<7x!tpu.dma_semaphore, #tpu.memory_space<semaphore_mem>> -> memref<1x!tpu.dma_semaphore, #tpu.memory_space<semaphore_mem>>
    %dma_start3A_214 = tpu.memref_squeeze %dma_start3A_213 : memref<1x!tpu.dma_semaphore, #tpu.memory_space<semaphore_mem>> -> memref<!tpu.dma_semaphore, #tpu.memory_space<semaphore_mem>>
    %dma_start3A_215 = arith.constant 0 : i32
    %dma_start3A_216 = tpu.memref_slice %arg6[%mul3A_204, %dma_start3A_215] : memref<32768x128xf32, #tpu.memory_space<hbm>> -> memref<128x128xf32, #tpu.memory_space<hbm>>
    %dma_start3A_217 = arith.constant 0 : i32
    %dma_start3A_218 = arith.constant 0 : i32
    %dma_start3A_219 = tpu.memref_slice %arg8[%dma_start3A_205, %dma_start3A_217, %dma_start3A_218] : memref<7x128x128xf32, #tpu.memory_space<vmem>> -> memref<1x128x128xf32, #tpu.memory_space<vmem>>
    %dma_start3A_220 = tpu.memref_squeeze %dma_start3A_219 : memref<1x128x128xf32, #tpu.memory_space<vmem>> -> memref<128x128xf32, #tpu.memory_space<vmem>>
    tpu.enqueue_dma source(%dma_start3A_220 : memref<128x128xf32, #tpu.memory_space<vmem>>) target(%dma_start3A_216 : memref<128x128xf32, #tpu.memory_space<hbm>>) target_semaphore(%dma_start3A_214 : memref<!tpu.dma_semaphore, #tpu.memory_space<semaphore_mem>>)
    %dma_wait3A_221 = arith.constant 1 : i32
    %dma_wait3A_222 = arith.constant 1 : i32
    %dma_wait3A_223 = arith.constant 0 : i32
    %dma_wait3A_224 = arith.constant 0 : i32
    %dma_wait3A_225 = tpu.memref_slice %arg8[%dma_wait3A_221, %dma_wait3A_223, %dma_wait3A_224] : memref<7x128x128xf32, #tpu.memory_space<vmem>> -> memref<1x128x128xf32, #tpu.memory_space<vmem>>
    %dma_wait3A_226 = tpu.memref_squeeze %dma_wait3A_225 : memref<1x128x128xf32, #tpu.memory_space<vmem>> -> memref<128x128xf32, #tpu.memory_space<vmem>>
    %dma_wait3A_227 = arith.constant 0 : i32
    %dma_wait3A_228 = tpu.memref_slice %arg6[%mul3A_204, %dma_wait3A_227] : memref<32768x128xf32, #tpu.memory_space<hbm>> -> memref<128x128xf32, #tpu.memory_space<hbm>>
    %dma_wait3A_229 = tpu.memref_slice %arg10[%dma_wait3A_222] : memref<7x!tpu.dma_semaphore, #tpu.memory_space<semaphore_mem>> -> memref<1x!tpu.dma_semaphore, #tpu.memory_space<semaphore_mem>>
    %dma_wait3A_230 = tpu.memref_squeeze %dma_wait3A_229 : memref<1x!tpu.dma_semaphore, #tpu.memory_space<semaphore_mem>> -> memref<!tpu.dma_semaphore, #tpu.memory_space<semaphore_mem>>
    %dma_wait3A_231 = arith.constant 0 : i32
    %dma_wait3A_232 = tpu.memref_slice %arg6[%mul3A_204, %dma_wait3A_231] : memref<32768x128xf32, #tpu.memory_space<hbm>> -> memref<128x128xf32, #tpu.memory_space<hbm>>
    %dma_wait3A_233 = arith.constant 0 : i32
    %dma_wait3A_234 = arith.constant 0 : i32
    %dma_wait3A_235 = tpu.memref_slice %arg8[%dma_wait3A_221, %dma_wait3A_233, %dma_wait3A_234] : memref<7x128x128xf32, #tpu.memory_space<vmem>> -> memref<1x128x128xf32, #tpu.memory_space<vmem>>
    %dma_wait3A_236 = tpu.memref_squeeze %dma_wait3A_235 : memref<1x128x128xf32, #tpu.memory_space<vmem>> -> memref<128x128xf32, #tpu.memory_space<vmem>>
    tpu.wait_dma2 semaphore(%dma_wait3A_230 : memref<!tpu.dma_semaphore, #tpu.memory_space<semaphore_mem>>) src(%dma_wait3A_236 : memref<128x128xf32, #tpu.memory_space<vmem>>) dst(%dma_wait3A_232 : memref<128x128xf32, #tpu.memory_space<hbm>>)
    %dma_start3A_237 = arith.constant 1 : i32
    %dma_start3A_238 = arith.constant 1 : i32
    %dma_start3A_239 = arith.constant 0 : i32
    %dma_start3A_240 = arith.constant 0 : i32
    %dma_start3A_241 = tpu.memref_slice %arg8[%dma_start3A_237, %dma_start3A_239, %dma_start3A_240] : memref<7x128x128xf32, #tpu.memory_space<vmem>> -> memref<1x128x128xf32, #tpu.memory_space<vmem>>
    %dma_start3A_242 = tpu.memref_squeeze %dma_start3A_241 : memref<1x128x128xf32, #tpu.memory_space<vmem>> -> memref<128x128xf32, #tpu.memory_space<vmem>>
    %dma_start3A_243 = arith.constant 512 : i32
    %dma_start3A_244 = tpu.memref_slice %arg7[%dma_start3A_243] : memref<1024xi32, #tpu.memory_space<vmem>> -> memref<128xi32, #tpu.memory_space<vmem>>
    %dma_start3A_245 = arith.constant 0 : i32
    %dma_start3A_246 = arith.constant 0 : i32
    %dma_start3A_247 = tpu.memref_slice %arg2[%dma_start3A_245, %dma_start3A_246] : memref<8192x128xf32, #tpu.memory_space<hbm>> -> memref<8192x128xf32, #tpu.memory_space<hbm>>
    %dma_start3A_248 = tpu.memref_slice %arg9[%dma_start3A_238] : memref<7x!tpu.dma_semaphore, #tpu.memory_space<semaphore_mem>> -> memref<1x!tpu.dma_semaphore, #tpu.memory_space<semaphore_mem>>
    %dma_start3A_249 = tpu.memref_squeeze %dma_start3A_248 : memref<1x!tpu.dma_semaphore, #tpu.memory_space<semaphore_mem>> -> memref<!tpu.dma_semaphore, #tpu.memory_space<semaphore_mem>>
    tpu.enqueue_indirect_dma source(%dma_start3A_247 : memref<8192x128xf32, #tpu.memory_space<hbm>>) target(%dma_start3A_242 : memref<128x128xf32, #tpu.memory_space<vmem>>) offsets(%dma_start3A_244 : memref<128xi32, #tpu.memory_space<vmem>>) semaphore(%dma_start3A_249 : memref<!tpu.dma_semaphore, #tpu.memory_space<semaphore_mem>>)
    %dma_wait3A_250 = arith.constant 2 : i32
    %dma_wait3A_251 = arith.constant 2 : i32
    %dma_wait3A_252 = arith.constant 0 : i32
    %dma_wait3A_253 = arith.constant 0 : i32
    %dma_wait3A_254 = tpu.memref_slice %arg8[%dma_wait3A_250, %dma_wait3A_252, %dma_wait3A_253] : memref<7x128x128xf32, #tpu.memory_space<vmem>> -> memref<1x128x128xf32, #tpu.memory_space<vmem>>
    %dma_wait3A_255 = tpu.memref_squeeze %dma_wait3A_254 : memref<1x128x128xf32, #tpu.memory_space<vmem>> -> memref<128x128xf32, #tpu.memory_space<vmem>>
    %dma_wait3A_256 = arith.constant 128 : i32
    %dma_wait3A_257 = tpu.memref_slice %arg7[%dma_wait3A_256] : memref<1024xi32, #tpu.memory_space<vmem>> -> memref<128xi32, #tpu.memory_space<vmem>>
    %dma_wait3A_258 = arith.constant 0 : i32
    %dma_wait3A_259 = arith.constant 0 : i32
    %dma_wait3A_260 = tpu.memref_slice %arg2[%dma_wait3A_258, %dma_wait3A_259] : memref<8192x128xf32, #tpu.memory_space<hbm>> -> memref<8192x128xf32, #tpu.memory_space<hbm>>
    %dma_wait3A_261 = tpu.memref_slice %arg9[%dma_wait3A_251] : memref<7x!tpu.dma_semaphore, #tpu.memory_space<semaphore_mem>> -> memref<1x!tpu.dma_semaphore, #tpu.memory_space<semaphore_mem>>
    %dma_wait3A_262 = tpu.memref_squeeze %dma_wait3A_261 : memref<1x!tpu.dma_semaphore, #tpu.memory_space<semaphore_mem>> -> memref<!tpu.dma_semaphore, #tpu.memory_space<semaphore_mem>>
    tpu.wait_indirect_dma semaphore(%dma_wait3A_262 : memref<!tpu.dma_semaphore, #tpu.memory_space<semaphore_mem>>) src(%dma_wait3A_260 : memref<8192x128xf32, #tpu.memory_space<hbm>>) dst(%dma_wait3A_255 : memref<128x128xf32, #tpu.memory_space<vmem>>)
    %mul3A_263 = arith.constant 8 : i32
    %mul3A_264 = arith.muli %add3A, %mul3A_263 : i32
    %add3A_265 = arith.constant 1 : i32
    %add3A_266 = arith.addi %mul3A_264, %add3A_265 : i32
    %mul3A_267 = arith.constant 128 : i32
    %mul3A_268 = arith.muli %add3A_266, %mul3A_267 : i32
    %dma_start3A_269 = arith.constant 2 : i32
    %dma_start3A_270 = arith.constant 2 : i32
    %dma_start3A_271 = arith.constant 0 : i32
    %dma_start3A_272 = arith.constant 0 : i32
    %dma_start3A_273 = tpu.memref_slice %arg8[%dma_start3A_269, %dma_start3A_271, %dma_start3A_272] : memref<7x128x128xf32, #tpu.memory_space<vmem>> -> memref<1x128x128xf32, #tpu.memory_space<vmem>>
    %dma_start3A_274 = tpu.memref_squeeze %dma_start3A_273 : memref<1x128x128xf32, #tpu.memory_space<vmem>> -> memref<128x128xf32, #tpu.memory_space<vmem>>
    %dma_start3A_275 = arith.constant 0 : i32
    %dma_start3A_276 = tpu.memref_slice %arg5[%mul3A_268, %dma_start3A_275] : memref<32768x128xf32, #tpu.memory_space<hbm>> -> memref<128x128xf32, #tpu.memory_space<hbm>>
    %dma_start3A_277 = tpu.memref_slice %arg10[%dma_start3A_270] : memref<7x!tpu.dma_semaphore, #tpu.memory_space<semaphore_mem>> -> memref<1x!tpu.dma_semaphore, #tpu.memory_space<semaphore_mem>>
    %dma_start3A_278 = tpu.memref_squeeze %dma_start3A_277 : memref<1x!tpu.dma_semaphore, #tpu.memory_space<semaphore_mem>> -> memref<!tpu.dma_semaphore, #tpu.memory_space<semaphore_mem>>
    %dma_start3A_279 = arith.constant 0 : i32
    %dma_start3A_280 = tpu.memref_slice %arg5[%mul3A_268, %dma_start3A_279] : memref<32768x128xf32, #tpu.memory_space<hbm>> -> memref<128x128xf32, #tpu.memory_space<hbm>>
    %dma_start3A_281 = arith.constant 0 : i32
    %dma_start3A_282 = arith.constant 0 : i32
    %dma_start3A_283 = tpu.memref_slice %arg8[%dma_start3A_269, %dma_start3A_281, %dma_start3A_282] : memref<7x128x128xf32, #tpu.memory_space<vmem>> -> memref<1x128x128xf32, #tpu.memory_space<vmem>>
    %dma_start3A_284 = tpu.memref_squeeze %dma_start3A_283 : memref<1x128x128xf32, #tpu.memory_space<vmem>> -> memref<128x128xf32, #tpu.memory_space<vmem>>
    tpu.enqueue_dma source(%dma_start3A_284 : memref<128x128xf32, #tpu.memory_space<vmem>>) target(%dma_start3A_280 : memref<128x128xf32, #tpu.memory_space<hbm>>) target_semaphore(%dma_start3A_278 : memref<!tpu.dma_semaphore, #tpu.memory_space<semaphore_mem>>)
    %dma_wait3A_285 = arith.constant 2 : i32
    %dma_wait3A_286 = arith.constant 2 : i32
    %dma_wait3A_287 = arith.constant 0 : i32
    %dma_wait3A_288 = arith.constant 0 : i32
    %dma_wait3A_289 = tpu.memref_slice %arg8[%dma_wait3A_285, %dma_wait3A_287, %dma_wait3A_288] : memref<7x128x128xf32, #tpu.memory_space<vmem>> -> memref<1x128x128xf32, #tpu.memory_space<vmem>>
    %dma_wait3A_290 = tpu.memref_squeeze %dma_wait3A_289 : memref<1x128x128xf32, #tpu.memory_space<vmem>> -> memref<128x128xf32, #tpu.memory_space<vmem>>
    %dma_wait3A_291 = arith.constant 0 : i32
    %dma_wait3A_292 = tpu.memref_slice %arg5[%mul3A_268, %dma_wait3A_291] : memref<32768x128xf32, #tpu.memory_space<hbm>> -> memref<128x128xf32, #tpu.memory_space<hbm>>
    %dma_wait3A_293 = tpu.memref_slice %arg10[%dma_wait3A_286] : memref<7x!tpu.dma_semaphore, #tpu.memory_space<semaphore_mem>> -> memref<1x!tpu.dma_semaphore, #tpu.memory_space<semaphore_mem>>
    %dma_wait3A_294 = tpu.memref_squeeze %dma_wait3A_293 : memref<1x!tpu.dma_semaphore, #tpu.memory_space<semaphore_mem>> -> memref<!tpu.dma_semaphore, #tpu.memory_space<semaphore_mem>>
    %dma_wait3A_295 = arith.constant 0 : i32
    %dma_wait3A_296 = tpu.memref_slice %arg5[%mul3A_268, %dma_wait3A_295] : memref<32768x128xf32, #tpu.memory_space<hbm>> -> memref<128x128xf32, #tpu.memory_space<hbm>>
    %dma_wait3A_297 = arith.constant 0 : i32
    %dma_wait3A_298 = arith.constant 0 : i32
    %dma_wait3A_299 = tpu.memref_slice %arg8[%dma_wait3A_285, %dma_wait3A_297, %dma_wait3A_298] : memref<7x128x128xf32, #tpu.memory_space<vmem>> -> memref<1x128x128xf32, #tpu.memory_space<vmem>>
    %dma_wait3A_300 = tpu.memref_squeeze %dma_wait3A_299 : memref<1x128x128xf32, #tpu.memory_space<vmem>> -> memref<128x128xf32, #tpu.memory_space<vmem>>
    tpu.wait_dma2 semaphore(%dma_wait3A_294 : memref<!tpu.dma_semaphore, #tpu.memory_space<semaphore_mem>>) src(%dma_wait3A_300 : memref<128x128xf32, #tpu.memory_space<vmem>>) dst(%dma_wait3A_296 : memref<128x128xf32, #tpu.memory_space<hbm>>)
    %dma_start3A_301 = arith.constant 2 : i32
    %dma_start3A_302 = arith.constant 2 : i32
    %dma_start3A_303 = arith.constant 0 : i32
    %dma_start3A_304 = arith.constant 0 : i32
    %dma_start3A_305 = tpu.memref_slice %arg8[%dma_start3A_301, %dma_start3A_303, %dma_start3A_304] : memref<7x128x128xf32, #tpu.memory_space<vmem>> -> memref<1x128x128xf32, #tpu.memory_space<vmem>>
    %dma_start3A_306 = tpu.memref_squeeze %dma_start3A_305 : memref<1x128x128xf32, #tpu.memory_space<vmem>> -> memref<128x128xf32, #tpu.memory_space<vmem>>
    %dma_start3A_307 = arith.constant 512 : i32
    %dma_start3A_308 = tpu.memref_slice %arg7[%dma_start3A_307] : memref<1024xi32, #tpu.memory_space<vmem>> -> memref<128xi32, #tpu.memory_space<vmem>>
    %dma_start3A_309 = arith.constant 0 : i32
    %dma_start3A_310 = arith.constant 0 : i32
    %dma_start3A_311 = tpu.memref_slice %arg3[%dma_start3A_309, %dma_start3A_310] : memref<8192x128xf32, #tpu.memory_space<hbm>> -> memref<8192x128xf32, #tpu.memory_space<hbm>>
    %dma_start3A_312 = tpu.memref_slice %arg9[%dma_start3A_302] : memref<7x!tpu.dma_semaphore, #tpu.memory_space<semaphore_mem>> -> memref<1x!tpu.dma_semaphore, #tpu.memory_space<semaphore_mem>>
    %dma_start3A_313 = tpu.memref_squeeze %dma_start3A_312 : memref<1x!tpu.dma_semaphore, #tpu.memory_space<semaphore_mem>> -> memref<!tpu.dma_semaphore, #tpu.memory_space<semaphore_mem>>
    tpu.enqueue_indirect_dma source(%dma_start3A_311 : memref<8192x128xf32, #tpu.memory_space<hbm>>) target(%dma_start3A_306 : memref<128x128xf32, #tpu.memory_space<vmem>>) offsets(%dma_start3A_308 : memref<128xi32, #tpu.memory_space<vmem>>) semaphore(%dma_start3A_313 : memref<!tpu.dma_semaphore, #tpu.memory_space<semaphore_mem>>)
    %dma_wait3A_314 = arith.constant 3 : i32
    %dma_wait3A_315 = arith.constant 3 : i32
    %dma_wait3A_316 = arith.constant 0 : i32
    %dma_wait3A_317 = arith.constant 0 : i32
    %dma_wait3A_318 = tpu.memref_slice %arg8[%dma_wait3A_314, %dma_wait3A_316, %dma_wait3A_317] : memref<7x128x128xf32, #tpu.memory_space<vmem>> -> memref<1x128x128xf32, #tpu.memory_space<vmem>>
    %dma_wait3A_319 = tpu.memref_squeeze %dma_wait3A_318 : memref<1x128x128xf32, #tpu.memory_space<vmem>> -> memref<128x128xf32, #tpu.memory_space<vmem>>
    %dma_wait3A_320 = arith.constant 128 : i32
    %dma_wait3A_321 = tpu.memref_slice %arg7[%dma_wait3A_320] : memref<1024xi32, #tpu.memory_space<vmem>> -> memref<128xi32, #tpu.memory_space<vmem>>
    %dma_wait3A_322 = arith.constant 0 : i32
    %dma_wait3A_323 = arith.constant 0 : i32
    %dma_wait3A_324 = tpu.memref_slice %arg3[%dma_wait3A_322, %dma_wait3A_323] : memref<8192x128xf32, #tpu.memory_space<hbm>> -> memref<8192x128xf32, #tpu.memory_space<hbm>>
    %dma_wait3A_325 = tpu.memref_slice %arg9[%dma_wait3A_315] : memref<7x!tpu.dma_semaphore, #tpu.memory_space<semaphore_mem>> -> memref<1x!tpu.dma_semaphore, #tpu.memory_space<semaphore_mem>>
    %dma_wait3A_326 = tpu.memref_squeeze %dma_wait3A_325 : memref<1x!tpu.dma_semaphore, #tpu.memory_space<semaphore_mem>> -> memref<!tpu.dma_semaphore, #tpu.memory_space<semaphore_mem>>
    tpu.wait_indirect_dma semaphore(%dma_wait3A_326 : memref<!tpu.dma_semaphore, #tpu.memory_space<semaphore_mem>>) src(%dma_wait3A_324 : memref<8192x128xf32, #tpu.memory_space<hbm>>) dst(%dma_wait3A_319 : memref<128x128xf32, #tpu.memory_space<vmem>>)
    %mul3A_327 = arith.constant 8 : i32
    %mul3A_328 = arith.muli %add3A, %mul3A_327 : i32
    %add3A_329 = arith.constant 1 : i32
    %add3A_330 = arith.addi %mul3A_328, %add3A_329 : i32
    %mul3A_331 = arith.constant 128 : i32
    %mul3A_332 = arith.muli %add3A_330, %mul3A_331 : i32
    %dma_start3A_333 = arith.constant 3 : i32
    %dma_start3A_334 = arith.constant 3 : i32
    %dma_start3A_335 = arith.constant 0 : i32
    %dma_start3A_336 = arith.constant 0 : i32
    %dma_start3A_337 = tpu.memref_slice %arg8[%dma_start3A_333, %dma_start3A_335, %dma_start3A_336] : memref<7x128x128xf32, #tpu.memory_space<vmem>> -> memref<1x128x128xf32, #tpu.memory_space<vmem>>
    %dma_start3A_338 = tpu.memref_squeeze %dma_start3A_337 : memref<1x128x128xf32, #tpu.memory_space<vmem>> -> memref<128x128xf32, #tpu.memory_space<vmem>>
    %dma_start3A_339 = arith.constant 0 : i32
    %dma_start3A_340 = tpu.memref_slice %arg6[%mul3A_332, %dma_start3A_339] : memref<32768x128xf32, #tpu.memory_space<hbm>> -> memref<128x128xf32, #tpu.memory_space<hbm>>
    %dma_start3A_341 = tpu.memref_slice %arg10[%dma_start3A_334] : memref<7x!tpu.dma_semaphore, #tpu.memory_space<semaphore_mem>> -> memref<1x!tpu.dma_semaphore, #tpu.memory_space<semaphore_mem>>
    %dma_start3A_342 = tpu.memref_squeeze %dma_start3A_341 : memref<1x!tpu.dma_semaphore, #tpu.memory_space<semaphore_mem>> -> memref<!tpu.dma_semaphore, #tpu.memory_space<semaphore_mem>>
    %dma_start3A_343 = arith.constant 0 : i32
    %dma_start3A_344 = tpu.memref_slice %arg6[%mul3A_332, %dma_start3A_343] : memref<32768x128xf32, #tpu.memory_space<hbm>> -> memref<128x128xf32, #tpu.memory_space<hbm>>
    %dma_start3A_345 = arith.constant 0 : i32
    %dma_start3A_346 = arith.constant 0 : i32
    %dma_start3A_347 = tpu.memref_slice %arg8[%dma_start3A_333, %dma_start3A_345, %dma_start3A_346] : memref<7x128x128xf32, #tpu.memory_space<vmem>> -> memref<1x128x128xf32, #tpu.memory_space<vmem>>
    %dma_start3A_348 = tpu.memref_squeeze %dma_start3A_347 : memref<1x128x128xf32, #tpu.memory_space<vmem>> -> memref<128x128xf32, #tpu.memory_space<vmem>>
    tpu.enqueue_dma source(%dma_start3A_348 : memref<128x128xf32, #tpu.memory_space<vmem>>) target(%dma_start3A_344 : memref<128x128xf32, #tpu.memory_space<hbm>>) target_semaphore(%dma_start3A_342 : memref<!tpu.dma_semaphore, #tpu.memory_space<semaphore_mem>>)
    %dma_wait3A_349 = arith.constant 3 : i32
    %dma_wait3A_350 = arith.constant 3 : i32
    %dma_wait3A_351 = arith.constant 0 : i32
    %dma_wait3A_352 = arith.constant 0 : i32
    %dma_wait3A_353 = tpu.memref_slice %arg8[%dma_wait3A_349, %dma_wait3A_351, %dma_wait3A_352] : memref<7x128x128xf32, #tpu.memory_space<vmem>> -> memref<1x128x128xf32, #tpu.memory_space<vmem>>
    %dma_wait3A_354 = tpu.memref_squeeze %dma_wait3A_353 : memref<1x128x128xf32, #tpu.memory_space<vmem>> -> memref<128x128xf32, #tpu.memory_space<vmem>>
    %dma_wait3A_355 = arith.constant 0 : i32
    %dma_wait3A_356 = tpu.memref_slice %arg6[%mul3A_332, %dma_wait3A_355] : memref<32768x128xf32, #tpu.memory_space<hbm>> -> memref<128x128xf32, #tpu.memory_space<hbm>>
    %dma_wait3A_357 = tpu.memref_slice %arg10[%dma_wait3A_350] : memref<7x!tpu.dma_semaphore, #tpu.memory_space<semaphore_mem>> -> memref<1x!tpu.dma_semaphore, #tpu.memory_space<semaphore_mem>>
    %dma_wait3A_358 = tpu.memref_squeeze %dma_wait3A_357 : memref<1x!tpu.dma_semaphore, #tpu.memory_space<semaphore_mem>> -> memref<!tpu.dma_semaphore, #tpu.memory_space<semaphore_mem>>
    %dma_wait3A_359 = arith.constant 0 : i32
    %dma_wait3A_360 = tpu.memref_slice %arg6[%mul3A_332, %dma_wait3A_359] : memref<32768x128xf32, #tpu.memory_space<hbm>> -> memref<128x128xf32, #tpu.memory_space<hbm>>
    %dma_wait3A_361 = arith.constant 0 : i32
    %dma_wait3A_362 = arith.constant 0 : i32
    %dma_wait3A_363 = tpu.memref_slice %arg8[%dma_wait3A_349, %dma_wait3A_361, %dma_wait3A_362] : memref<7x128x128xf32, #tpu.memory_space<vmem>> -> memref<1x128x128xf32, #tpu.memory_space<vmem>>
    %dma_wait3A_364 = tpu.memref_squeeze %dma_wait3A_363 : memref<1x128x128xf32, #tpu.memory_space<vmem>> -> memref<128x128xf32, #tpu.memory_space<vmem>>
    tpu.wait_dma2 semaphore(%dma_wait3A_358 : memref<!tpu.dma_semaphore, #tpu.memory_space<semaphore_mem>>) src(%dma_wait3A_364 : memref<128x128xf32, #tpu.memory_space<vmem>>) dst(%dma_wait3A_360 : memref<128x128xf32, #tpu.memory_space<hbm>>)
    %dma_start3A_365 = arith.constant 3 : i32
    %dma_start3A_366 = arith.constant 3 : i32
    %dma_start3A_367 = arith.constant 0 : i32
    %dma_start3A_368 = arith.constant 0 : i32
    %dma_start3A_369 = tpu.memref_slice %arg8[%dma_start3A_365, %dma_start3A_367, %dma_start3A_368] : memref<7x128x128xf32, #tpu.memory_space<vmem>> -> memref<1x128x128xf32, #tpu.memory_space<vmem>>
    %dma_start3A_370 = tpu.memref_squeeze %dma_start3A_369 : memref<1x128x128xf32, #tpu.memory_space<vmem>> -> memref<128x128xf32, #tpu.memory_space<vmem>>
    %dma_start3A_371 = arith.constant 640 : i32
    %dma_start3A_372 = tpu.memref_slice %arg7[%dma_start3A_371] : memref<1024xi32, #tpu.memory_space<vmem>> -> memref<128xi32, #tpu.memory_space<vmem>>
    %dma_start3A_373 = arith.constant 0 : i32
    %dma_start3A_374 = arith.constant 0 : i32
    %dma_start3A_375 = tpu.memref_slice %arg2[%dma_start3A_373, %dma_start3A_374] : memref<8192x128xf32, #tpu.memory_space<hbm>> -> memref<8192x128xf32, #tpu.memory_space<hbm>>
    %dma_start3A_376 = tpu.memref_slice %arg9[%dma_start3A_366] : memref<7x!tpu.dma_semaphore, #tpu.memory_space<semaphore_mem>> -> memref<1x!tpu.dma_semaphore, #tpu.memory_space<semaphore_mem>>
    %dma_start3A_377 = tpu.memref_squeeze %dma_start3A_376 : memref<1x!tpu.dma_semaphore, #tpu.memory_space<semaphore_mem>> -> memref<!tpu.dma_semaphore, #tpu.memory_space<semaphore_mem>>
    tpu.enqueue_indirect_dma source(%dma_start3A_375 : memref<8192x128xf32, #tpu.memory_space<hbm>>) target(%dma_start3A_370 : memref<128x128xf32, #tpu.memory_space<vmem>>) offsets(%dma_start3A_372 : memref<128xi32, #tpu.memory_space<vmem>>) semaphore(%dma_start3A_377 : memref<!tpu.dma_semaphore, #tpu.memory_space<semaphore_mem>>)
    %dma_wait3A_378 = arith.constant 4 : i32
    %dma_wait3A_379 = arith.constant 4 : i32
    %dma_wait3A_380 = arith.constant 0 : i32
    %dma_wait3A_381 = arith.constant 0 : i32
    %dma_wait3A_382 = tpu.memref_slice %arg8[%dma_wait3A_378, %dma_wait3A_380, %dma_wait3A_381] : memref<7x128x128xf32, #tpu.memory_space<vmem>> -> memref<1x128x128xf32, #tpu.memory_space<vmem>>
    %dma_wait3A_383 = tpu.memref_squeeze %dma_wait3A_382 : memref<1x128x128xf32, #tpu.memory_space<vmem>> -> memref<128x128xf32, #tpu.memory_space<vmem>>
    %dma_wait3A_384 = arith.constant 256 : i32
    %dma_wait3A_385 = tpu.memref_slice %arg7[%dma_wait3A_384] : memref<1024xi32, #tpu.memory_space<vmem>> -> memref<128xi32, #tpu.memory_space<vmem>>
    %dma_wait3A_386 = arith.constant 0 : i32
    %dma_wait3A_387 = arith.constant 0 : i32
    %dma_wait3A_388 = tpu.memref_slice %arg2[%dma_wait3A_386, %dma_wait3A_387] : memref<8192x128xf32, #tpu.memory_space<hbm>> -> memref<8192x128xf32, #tpu.memory_space<hbm>>
    %dma_wait3A_389 = tpu.memref_slice %arg9[%dma_wait3A_379] : memref<7x!tpu.dma_semaphore, #tpu.memory_space<semaphore_mem>> -> memref<1x!tpu.dma_semaphore, #tpu.memory_space<semaphore_mem>>
    %dma_wait3A_390 = tpu.memref_squeeze %dma_wait3A_389 : memref<1x!tpu.dma_semaphore, #tpu.memory_space<semaphore_mem>> -> memref<!tpu.dma_semaphore, #tpu.memory_space<semaphore_mem>>
    tpu.wait_indirect_dma semaphore(%dma_wait3A_390 : memref<!tpu.dma_semaphore, #tpu.memory_space<semaphore_mem>>) src(%dma_wait3A_388 : memref<8192x128xf32, #tpu.memory_space<hbm>>) dst(%dma_wait3A_383 : memref<128x128xf32, #tpu.memory_space<vmem>>)
    %mul3A_391 = arith.constant 8 : i32
    %mul3A_392 = arith.muli %add3A, %mul3A_391 : i32
    %add3A_393 = arith.constant 2 : i32
    %add3A_394 = arith.addi %mul3A_392, %add3A_393 : i32
    %mul3A_395 = arith.constant 128 : i32
    %mul3A_396 = arith.muli %add3A_394, %mul3A_395 : i32
    %dma_start3A_397 = arith.constant 4 : i32
    %dma_start3A_398 = arith.constant 4 : i32
    %dma_start3A_399 = arith.constant 0 : i32
    %dma_start3A_400 = arith.constant 0 : i32
    %dma_start3A_401 = tpu.memref_slice %arg8[%dma_start3A_397, %dma_start3A_399, %dma_start3A_400] : memref<7x128x128xf32, #tpu.memory_space<vmem>> -> memref<1x128x128xf32, #tpu.memory_space<vmem>>
    %dma_start3A_402 = tpu.memref_squeeze %dma_start3A_401 : memref<1x128x128xf32, #tpu.memory_space<vmem>> -> memref<128x128xf32, #tpu.memory_space<vmem>>
    %dma_start3A_403 = arith.constant 0 : i32
    %dma_start3A_404 = tpu.memref_slice %arg5[%mul3A_396, %dma_start3A_403] : memref<32768x128xf32, #tpu.memory_space<hbm>> -> memref<128x128xf32, #tpu.memory_space<hbm>>
    %dma_start3A_405 = tpu.memref_slice %arg10[%dma_start3A_398] : memref<7x!tpu.dma_semaphore, #tpu.memory_space<semaphore_mem>> -> memref<1x!tpu.dma_semaphore, #tpu.memory_space<semaphore_mem>>
    %dma_start3A_406 = tpu.memref_squeeze %dma_start3A_405 : memref<1x!tpu.dma_semaphore, #tpu.memory_space<semaphore_mem>> -> memref<!tpu.dma_semaphore, #tpu.memory_space<semaphore_mem>>
    %dma_start3A_407 = arith.constant 0 : i32
    %dma_start3A_408 = tpu.memref_slice %arg5[%mul3A_396, %dma_start3A_407] : memref<32768x128xf32, #tpu.memory_space<hbm>> -> memref<128x128xf32, #tpu.memory_space<hbm>>
    %dma_start3A_409 = arith.constant 0 : i32
    %dma_start3A_410 = arith.constant 0 : i32
    %dma_start3A_411 = tpu.memref_slice %arg8[%dma_start3A_397, %dma_start3A_409, %dma_start3A_410] : memref<7x128x128xf32, #tpu.memory_space<vmem>> -> memref<1x128x128xf32, #tpu.memory_space<vmem>>
    %dma_start3A_412 = tpu.memref_squeeze %dma_start3A_411 : memref<1x128x128xf32, #tpu.memory_space<vmem>> -> memref<128x128xf32, #tpu.memory_space<vmem>>
    tpu.enqueue_dma source(%dma_start3A_412 : memref<128x128xf32, #tpu.memory_space<vmem>>) target(%dma_start3A_408 : memref<128x128xf32, #tpu.memory_space<hbm>>) target_semaphore(%dma_start3A_406 : memref<!tpu.dma_semaphore, #tpu.memory_space<semaphore_mem>>)
    %dma_wait3A_413 = arith.constant 4 : i32
    %dma_wait3A_414 = arith.constant 4 : i32
    %dma_wait3A_415 = arith.constant 0 : i32
    %dma_wait3A_416 = arith.constant 0 : i32
    %dma_wait3A_417 = tpu.memref_slice %arg8[%dma_wait3A_413, %dma_wait3A_415, %dma_wait3A_416] : memref<7x128x128xf32, #tpu.memory_space<vmem>> -> memref<1x128x128xf32, #tpu.memory_space<vmem>>
    %dma_wait3A_418 = tpu.memref_squeeze %dma_wait3A_417 : memref<1x128x128xf32, #tpu.memory_space<vmem>> -> memref<128x128xf32, #tpu.memory_space<vmem>>
    %dma_wait3A_419 = arith.constant 0 : i32
    %dma_wait3A_420 = tpu.memref_slice %arg5[%mul3A_396, %dma_wait3A_419] : memref<32768x128xf32, #tpu.memory_space<hbm>> -> memref<128x128xf32, #tpu.memory_space<hbm>>
    %dma_wait3A_421 = tpu.memref_slice %arg10[%dma_wait3A_414] : memref<7x!tpu.dma_semaphore, #tpu.memory_space<semaphore_mem>> -> memref<1x!tpu.dma_semaphore, #tpu.memory_space<semaphore_mem>>
    %dma_wait3A_422 = tpu.memref_squeeze %dma_wait3A_421 : memref<1x!tpu.dma_semaphore, #tpu.memory_space<semaphore_mem>> -> memref<!tpu.dma_semaphore, #tpu.memory_space<semaphore_mem>>
    %dma_wait3A_423 = arith.constant 0 : i32
    %dma_wait3A_424 = tpu.memref_slice %arg5[%mul3A_396, %dma_wait3A_423] : memref<32768x128xf32, #tpu.memory_space<hbm>> -> memref<128x128xf32, #tpu.memory_space<hbm>>
    %dma_wait3A_425 = arith.constant 0 : i32
    %dma_wait3A_426 = arith.constant 0 : i32
    %dma_wait3A_427 = tpu.memref_slice %arg8[%dma_wait3A_413, %dma_wait3A_425, %dma_wait3A_426] : memref<7x128x128xf32, #tpu.memory_space<vmem>> -> memref<1x128x128xf32, #tpu.memory_space<vmem>>
    %dma_wait3A_428 = tpu.memref_squeeze %dma_wait3A_427 : memref<1x128x128xf32, #tpu.memory_space<vmem>> -> memref<128x128xf32, #tpu.memory_space<vmem>>
    tpu.wait_dma2 semaphore(%dma_wait3A_422 : memref<!tpu.dma_semaphore, #tpu.memory_space<semaphore_mem>>) src(%dma_wait3A_428 : memref<128x128xf32, #tpu.memory_space<vmem>>) dst(%dma_wait3A_424 : memref<128x128xf32, #tpu.memory_space<hbm>>)
    %dma_start3A_429 = arith.constant 4 : i32
    %dma_start3A_430 = arith.constant 4 : i32
    %dma_start3A_431 = arith.constant 0 : i32
    %dma_start3A_432 = arith.constant 0 : i32
    %dma_start3A_433 = tpu.memref_slice %arg8[%dma_start3A_429, %dma_start3A_431, %dma_start3A_432] : memref<7x128x128xf32, #tpu.memory_space<vmem>> -> memref<1x128x128xf32, #tpu.memory_space<vmem>>
    %dma_start3A_434 = tpu.memref_squeeze %dma_start3A_433 : memref<1x128x128xf32, #tpu.memory_space<vmem>> -> memref<128x128xf32, #tpu.memory_space<vmem>>
    %dma_start3A_435 = arith.constant 640 : i32
    %dma_start3A_436 = tpu.memref_slice %arg7[%dma_start3A_435] : memref<1024xi32, #tpu.memory_space<vmem>> -> memref<128xi32, #tpu.memory_space<vmem>>
    %dma_start3A_437 = arith.constant 0 : i32
    %dma_start3A_438 = arith.constant 0 : i32
    %dma_start3A_439 = tpu.memref_slice %arg3[%dma_start3A_437, %dma_start3A_438] : memref<8192x128xf32, #tpu.memory_space<hbm>> -> memref<8192x128xf32, #tpu.memory_space<hbm>>
    %dma_start3A_440 = tpu.memref_slice %arg9[%dma_start3A_430] : memref<7x!tpu.dma_semaphore, #tpu.memory_space<semaphore_mem>> -> memref<1x!tpu.dma_semaphore, #tpu.memory_space<semaphore_mem>>
    %dma_start3A_441 = tpu.memref_squeeze %dma_start3A_440 : memref<1x!tpu.dma_semaphore, #tpu.memory_space<semaphore_mem>> -> memref<!tpu.dma_semaphore, #tpu.memory_space<semaphore_mem>>
    tpu.enqueue_indirect_dma source(%dma_start3A_439 : memref<8192x128xf32, #tpu.memory_space<hbm>>) target(%dma_start3A_434 : memref<128x128xf32, #tpu.memory_space<vmem>>) offsets(%dma_start3A_436 : memref<128xi32, #tpu.memory_space<vmem>>) semaphore(%dma_start3A_441 : memref<!tpu.dma_semaphore, #tpu.memory_space<semaphore_mem>>)
    %dma_wait3A_442 = arith.constant 5 : i32
    %dma_wait3A_443 = arith.constant 5 : i32
    %dma_wait3A_444 = arith.constant 0 : i32
    %dma_wait3A_445 = arith.constant 0 : i32
    %dma_wait3A_446 = tpu.memref_slice %arg8[%dma_wait3A_442, %dma_wait3A_444, %dma_wait3A_445] : memref<7x128x128xf32, #tpu.memory_space<vmem>> -> memref<1x128x128xf32, #tpu.memory_space<vmem>>
    %dma_wait3A_447 = tpu.memref_squeeze %dma_wait3A_446 : memref<1x128x128xf32, #tpu.memory_space<vmem>> -> memref<128x128xf32, #tpu.memory_space<vmem>>
    %dma_wait3A_448 = arith.constant 256 : i32
    %dma_wait3A_449 = tpu.memref_slice %arg7[%dma_wait3A_448] : memref<1024xi32, #tpu.memory_space<vmem>> -> memref<128xi32, #tpu.memory_space<vmem>>
    %dma_wait3A_450 = arith.constant 0 : i32
    %dma_wait3A_451 = arith.constant 0 : i32
    %dma_wait3A_452 = tpu.memref_slice %arg3[%dma_wait3A_450, %dma_wait3A_451] : memref<8192x128xf32, #tpu.memory_space<hbm>> -> memref<8192x128xf32, #tpu.memory_space<hbm>>
    %dma_wait3A_453 = tpu.memref_slice %arg9[%dma_wait3A_443] : memref<7x!tpu.dma_semaphore, #tpu.memory_space<semaphore_mem>> -> memref<1x!tpu.dma_semaphore, #tpu.memory_space<semaphore_mem>>
    %dma_wait3A_454 = tpu.memref_squeeze %dma_wait3A_453 : memref<1x!tpu.dma_semaphore, #tpu.memory_space<semaphore_mem>> -> memref<!tpu.dma_semaphore, #tpu.memory_space<semaphore_mem>>
    tpu.wait_indirect_dma semaphore(%dma_wait3A_454 : memref<!tpu.dma_semaphore, #tpu.memory_space<semaphore_mem>>) src(%dma_wait3A_452 : memref<8192x128xf32, #tpu.memory_space<hbm>>) dst(%dma_wait3A_447 : memref<128x128xf32, #tpu.memory_space<vmem>>)
    %mul3A_455 = arith.constant 8 : i32
    %mul3A_456 = arith.muli %add3A, %mul3A_455 : i32
    %add3A_457 = arith.constant 2 : i32
    %add3A_458 = arith.addi %mul3A_456, %add3A_457 : i32
    %mul3A_459 = arith.constant 128 : i32
    %mul3A_460 = arith.muli %add3A_458, %mul3A_459 : i32
    %dma_start3A_461 = arith.constant 5 : i32
    %dma_start3A_462 = arith.constant 5 : i32
    %dma_start3A_463 = arith.constant 0 : i32
    %dma_start3A_464 = arith.constant 0 : i32
    %dma_start3A_465 = tpu.memref_slice %arg8[%dma_start3A_461, %dma_start3A_463, %dma_start3A_464] : memref<7x128x128xf32, #tpu.memory_space<vmem>> -> memref<1x128x128xf32, #tpu.memory_space<vmem>>
    %dma_start3A_466 = tpu.memref_squeeze %dma_start3A_465 : memref<1x128x128xf32, #tpu.memory_space<vmem>> -> memref<128x128xf32, #tpu.memory_space<vmem>>
    %dma_start3A_467 = arith.constant 0 : i32
    %dma_start3A_468 = tpu.memref_slice %arg6[%mul3A_460, %dma_start3A_467] : memref<32768x128xf32, #tpu.memory_space<hbm>> -> memref<128x128xf32, #tpu.memory_space<hbm>>
    %dma_start3A_469 = tpu.memref_slice %arg10[%dma_start3A_462] : memref<7x!tpu.dma_semaphore, #tpu.memory_space<semaphore_mem>> -> memref<1x!tpu.dma_semaphore, #tpu.memory_space<semaphore_mem>>
    %dma_start3A_470 = tpu.memref_squeeze %dma_start3A_469 : memref<1x!tpu.dma_semaphore, #tpu.memory_space<semaphore_mem>> -> memref<!tpu.dma_semaphore, #tpu.memory_space<semaphore_mem>>
    %dma_start3A_471 = arith.constant 0 : i32
    %dma_start3A_472 = tpu.memref_slice %arg6[%mul3A_460, %dma_start3A_471] : memref<32768x128xf32, #tpu.memory_space<hbm>> -> memref<128x128xf32, #tpu.memory_space<hbm>>
    %dma_start3A_473 = arith.constant 0 : i32
    %dma_start3A_474 = arith.constant 0 : i32
    %dma_start3A_475 = tpu.memref_slice %arg8[%dma_start3A_461, %dma_start3A_473, %dma_start3A_474] : memref<7x128x128xf32, #tpu.memory_space<vmem>> -> memref<1x128x128xf32, #tpu.memory_space<vmem>>
    %dma_start3A_476 = tpu.memref_squeeze %dma_start3A_475 : memref<1x128x128xf32, #tpu.memory_space<vmem>> -> memref<128x128xf32, #tpu.memory_space<vmem>>
    tpu.enqueue_dma source(%dma_start3A_476 : memref<128x128xf32, #tpu.memory_space<vmem>>) target(%dma_start3A_472 : memref<128x128xf32, #tpu.memory_space<hbm>>) target_semaphore(%dma_start3A_470 : memref<!tpu.dma_semaphore, #tpu.memory_space<semaphore_mem>>)
    %dma_wait3A_477 = arith.constant 5 : i32
    %dma_wait3A_478 = arith.constant 5 : i32
    %dma_wait3A_479 = arith.constant 0 : i32
    %dma_wait3A_480 = arith.constant 0 : i32
    %dma_wait3A_481 = tpu.memref_slice %arg8[%dma_wait3A_477, %dma_wait3A_479, %dma_wait3A_480] : memref<7x128x128xf32, #tpu.memory_space<vmem>> -> memref<1x128x128xf32, #tpu.memory_space<vmem>>
    %dma_wait3A_482 = tpu.memref_squeeze %dma_wait3A_481 : memref<1x128x128xf32, #tpu.memory_space<vmem>> -> memref<128x128xf32, #tpu.memory_space<vmem>>
    %dma_wait3A_483 = arith.constant 0 : i32
    %dma_wait3A_484 = tpu.memref_slice %arg6[%mul3A_460, %dma_wait3A_483] : memref<32768x128xf32, #tpu.memory_space<hbm>> -> memref<128x128xf32, #tpu.memory_space<hbm>>
    %dma_wait3A_485 = tpu.memref_slice %arg10[%dma_wait3A_478] : memref<7x!tpu.dma_semaphore, #tpu.memory_space<semaphore_mem>> -> memref<1x!tpu.dma_semaphore, #tpu.memory_space<semaphore_mem>>
    %dma_wait3A_486 = tpu.memref_squeeze %dma_wait3A_485 : memref<1x!tpu.dma_semaphore, #tpu.memory_space<semaphore_mem>> -> memref<!tpu.dma_semaphore, #tpu.memory_space<semaphore_mem>>
    %dma_wait3A_487 = arith.constant 0 : i32
    %dma_wait3A_488 = tpu.memref_slice %arg6[%mul3A_460, %dma_wait3A_487] : memref<32768x128xf32, #tpu.memory_space<hbm>> -> memref<128x128xf32, #tpu.memory_space<hbm>>
    %dma_wait3A_489 = arith.constant 0 : i32
    %dma_wait3A_490 = arith.constant 0 : i32
    %dma_wait3A_491 = tpu.memref_slice %arg8[%dma_wait3A_477, %dma_wait3A_489, %dma_wait3A_490] : memref<7x128x128xf32, #tpu.memory_space<vmem>> -> memref<1x128x128xf32, #tpu.memory_space<vmem>>
    %dma_wait3A_492 = tpu.memref_squeeze %dma_wait3A_491 : memref<1x128x128xf32, #tpu.memory_space<vmem>> -> memref<128x128xf32, #tpu.memory_space<vmem>>
    tpu.wait_dma2 semaphore(%dma_wait3A_486 : memref<!tpu.dma_semaphore, #tpu.memory_space<semaphore_mem>>) src(%dma_wait3A_492 : memref<128x128xf32, #tpu.memory_space<vmem>>) dst(%dma_wait3A_488 : memref<128x128xf32, #tpu.memory_space<hbm>>)
    %dma_start3A_493 = arith.constant 5 : i32
    %dma_start3A_494 = arith.constant 5 : i32
    %dma_start3A_495 = arith.constant 0 : i32
    %dma_start3A_496 = arith.constant 0 : i32
    %dma_start3A_497 = tpu.memref_slice %arg8[%dma_start3A_493, %dma_start3A_495, %dma_start3A_496] : memref<7x128x128xf32, #tpu.memory_space<vmem>> -> memref<1x128x128xf32, #tpu.memory_space<vmem>>
    %dma_start3A_498 = tpu.memref_squeeze %dma_start3A_497 : memref<1x128x128xf32, #tpu.memory_space<vmem>> -> memref<128x128xf32, #tpu.memory_space<vmem>>
    %dma_start3A_499 = arith.constant 768 : i32
    %dma_start3A_500 = tpu.memref_slice %arg7[%dma_start3A_499] : memref<1024xi32, #tpu.memory_space<vmem>> -> memref<128xi32, #tpu.memory_space<vmem>>
    %dma_start3A_501 = arith.constant 0 : i32
    %dma_start3A_502 = arith.constant 0 : i32
    %dma_start3A_503 = tpu.memref_slice %arg2[%dma_start3A_501, %dma_start3A_502] : memref<8192x128xf32, #tpu.memory_space<hbm>> -> memref<8192x128xf32, #tpu.memory_space<hbm>>
    %dma_start3A_504 = tpu.memref_slice %arg9[%dma_start3A_494] : memref<7x!tpu.dma_semaphore, #tpu.memory_space<semaphore_mem>> -> memref<1x!tpu.dma_semaphore, #tpu.memory_space<semaphore_mem>>
    %dma_start3A_505 = tpu.memref_squeeze %dma_start3A_504 : memref<1x!tpu.dma_semaphore, #tpu.memory_space<semaphore_mem>> -> memref<!tpu.dma_semaphore, #tpu.memory_space<semaphore_mem>>
    tpu.enqueue_indirect_dma source(%dma_start3A_503 : memref<8192x128xf32, #tpu.memory_space<hbm>>) target(%dma_start3A_498 : memref<128x128xf32, #tpu.memory_space<vmem>>) offsets(%dma_start3A_500 : memref<128xi32, #tpu.memory_space<vmem>>) semaphore(%dma_start3A_505 : memref<!tpu.dma_semaphore, #tpu.memory_space<semaphore_mem>>)
    %dma_wait3A_506 = arith.constant 6 : i32
    %dma_wait3A_507 = arith.constant 6 : i32
    %dma_wait3A_508 = arith.constant 0 : i32
    %dma_wait3A_509 = arith.constant 0 : i32
    %dma_wait3A_510 = tpu.memref_slice %arg8[%dma_wait3A_506, %dma_wait3A_508, %dma_wait3A_509] : memref<7x128x128xf32, #tpu.memory_space<vmem>> -> memref<1x128x128xf32, #tpu.memory_space<vmem>>
    %dma_wait3A_511 = tpu.memref_squeeze %dma_wait3A_510 : memref<1x128x128xf32, #tpu.memory_space<vmem>> -> memref<128x128xf32, #tpu.memory_space<vmem>>
    %dma_wait3A_512 = arith.constant 384 : i32
    %dma_wait3A_513 = tpu.memref_slice %arg7[%dma_wait3A_512] : memref<1024xi32, #tpu.memory_space<vmem>> -> memref<128xi32, #tpu.memory_space<vmem>>
    %dma_wait3A_514 = arith.constant 0 : i32
    %dma_wait3A_515 = arith.constant 0 : i32
    %dma_wait3A_516 = tpu.memref_slice %arg2[%dma_wait3A_514, %dma_wait3A_515] : memref<8192x128xf32, #tpu.memory_space<hbm>> -> memref<8192x128xf32, #tpu.memory_space<hbm>>
    %dma_wait3A_517 = tpu.memref_slice %arg9[%dma_wait3A_507] : memref<7x!tpu.dma_semaphore, #tpu.memory_space<semaphore_mem>> -> memref<1x!tpu.dma_semaphore, #tpu.memory_space<semaphore_mem>>
    %dma_wait3A_518 = tpu.memref_squeeze %dma_wait3A_517 : memref<1x!tpu.dma_semaphore, #tpu.memory_space<semaphore_mem>> -> memref<!tpu.dma_semaphore, #tpu.memory_space<semaphore_mem>>
    tpu.wait_indirect_dma semaphore(%dma_wait3A_518 : memref<!tpu.dma_semaphore, #tpu.memory_space<semaphore_mem>>) src(%dma_wait3A_516 : memref<8192x128xf32, #tpu.memory_space<hbm>>) dst(%dma_wait3A_511 : memref<128x128xf32, #tpu.memory_space<vmem>>)
    %mul3A_519 = arith.constant 8 : i32
    %mul3A_520 = arith.muli %add3A, %mul3A_519 : i32
    %add3A_521 = arith.constant 3 : i32
    %add3A_522 = arith.addi %mul3A_520, %add3A_521 : i32
    %mul3A_523 = arith.constant 128 : i32
    %mul3A_524 = arith.muli %add3A_522, %mul3A_523 : i32
    %dma_start3A_525 = arith.constant 6 : i32
    %dma_start3A_526 = arith.constant 6 : i32
    %dma_start3A_527 = arith.constant 0 : i32
    %dma_start3A_528 = arith.constant 0 : i32
    %dma_start3A_529 = tpu.memref_slice %arg8[%dma_start3A_525, %dma_start3A_527, %dma_start3A_528] : memref<7x128x128xf32, #tpu.memory_space<vmem>> -> memref<1x128x128xf32, #tpu.memory_space<vmem>>
    %dma_start3A_530 = tpu.memref_squeeze %dma_start3A_529 : memref<1x128x128xf32, #tpu.memory_space<vmem>> -> memref<128x128xf32, #tpu.memory_space<vmem>>
    %dma_start3A_531 = arith.constant 0 : i32
    %dma_start3A_532 = tpu.memref_slice %arg5[%mul3A_524, %dma_start3A_531] : memref<32768x128xf32, #tpu.memory_space<hbm>> -> memref<128x128xf32, #tpu.memory_space<hbm>>
    %dma_start3A_533 = tpu.memref_slice %arg10[%dma_start3A_526] : memref<7x!tpu.dma_semaphore, #tpu.memory_space<semaphore_mem>> -> memref<1x!tpu.dma_semaphore, #tpu.memory_space<semaphore_mem>>
    %dma_start3A_534 = tpu.memref_squeeze %dma_start3A_533 : memref<1x!tpu.dma_semaphore, #tpu.memory_space<semaphore_mem>> -> memref<!tpu.dma_semaphore, #tpu.memory_space<semaphore_mem>>
    %dma_start3A_535 = arith.constant 0 : i32
    %dma_start3A_536 = tpu.memref_slice %arg5[%mul3A_524, %dma_start3A_535] : memref<32768x128xf32, #tpu.memory_space<hbm>> -> memref<128x128xf32, #tpu.memory_space<hbm>>
    %dma_start3A_537 = arith.constant 0 : i32
    %dma_start3A_538 = arith.constant 0 : i32
    %dma_start3A_539 = tpu.memref_slice %arg8[%dma_start3A_525, %dma_start3A_537, %dma_start3A_538] : memref<7x128x128xf32, #tpu.memory_space<vmem>> -> memref<1x128x128xf32, #tpu.memory_space<vmem>>
    %dma_start3A_540 = tpu.memref_squeeze %dma_start3A_539 : memref<1x128x128xf32, #tpu.memory_space<vmem>> -> memref<128x128xf32, #tpu.memory_space<vmem>>
    tpu.enqueue_dma source(%dma_start3A_540 : memref<128x128xf32, #tpu.memory_space<vmem>>) target(%dma_start3A_536 : memref<128x128xf32, #tpu.memory_space<hbm>>) target_semaphore(%dma_start3A_534 : memref<!tpu.dma_semaphore, #tpu.memory_space<semaphore_mem>>)
    %dma_wait3A_541 = arith.constant 6 : i32
    %dma_wait3A_542 = arith.constant 6 : i32
    %dma_wait3A_543 = arith.constant 0 : i32
    %dma_wait3A_544 = arith.constant 0 : i32
    %dma_wait3A_545 = tpu.memref_slice %arg8[%dma_wait3A_541, %dma_wait3A_543, %dma_wait3A_544] : memref<7x128x128xf32, #tpu.memory_space<vmem>> -> memref<1x128x128xf32, #tpu.memory_space<vmem>>
    %dma_wait3A_546 = tpu.memref_squeeze %dma_wait3A_545 : memref<1x128x128xf32, #tpu.memory_space<vmem>> -> memref<128x128xf32, #tpu.memory_space<vmem>>
    %dma_wait3A_547 = arith.constant 0 : i32
    %dma_wait3A_548 = tpu.memref_slice %arg5[%mul3A_524, %dma_wait3A_547] : memref<32768x128xf32, #tpu.memory_space<hbm>> -> memref<128x128xf32, #tpu.memory_space<hbm>>
    %dma_wait3A_549 = tpu.memref_slice %arg10[%dma_wait3A_542] : memref<7x!tpu.dma_semaphore, #tpu.memory_space<semaphore_mem>> -> memref<1x!tpu.dma_semaphore, #tpu.memory_space<semaphore_mem>>
    %dma_wait3A_550 = tpu.memref_squeeze %dma_wait3A_549 : memref<1x!tpu.dma_semaphore, #tpu.memory_space<semaphore_mem>> -> memref<!tpu.dma_semaphore, #tpu.memory_space<semaphore_mem>>
    %dma_wait3A_551 = arith.constant 0 : i32
    %dma_wait3A_552 = tpu.memref_slice %arg5[%mul3A_524, %dma_wait3A_551] : memref<32768x128xf32, #tpu.memory_space<hbm>> -> memref<128x128xf32, #tpu.memory_space<hbm>>
    %dma_wait3A_553 = arith.constant 0 : i32
    %dma_wait3A_554 = arith.constant 0 : i32
    %dma_wait3A_555 = tpu.memref_slice %arg8[%dma_wait3A_541, %dma_wait3A_553, %dma_wait3A_554] : memref<7x128x128xf32, #tpu.memory_space<vmem>> -> memref<1x128x128xf32, #tpu.memory_space<vmem>>
    %dma_wait3A_556 = tpu.memref_squeeze %dma_wait3A_555 : memref<1x128x128xf32, #tpu.memory_space<vmem>> -> memref<128x128xf32, #tpu.memory_space<vmem>>
    tpu.wait_dma2 semaphore(%dma_wait3A_550 : memref<!tpu.dma_semaphore, #tpu.memory_space<semaphore_mem>>) src(%dma_wait3A_556 : memref<128x128xf32, #tpu.memory_space<vmem>>) dst(%dma_wait3A_552 : memref<128x128xf32, #tpu.memory_space<hbm>>)
    %dma_start3A_557 = arith.constant 6 : i32
    %dma_start3A_558 = arith.constant 6 : i32
    %dma_start3A_559 = arith.constant 0 : i32
    %dma_start3A_560 = arith.constant 0 : i32
    %dma_start3A_561 = tpu.memref_slice %arg8[%dma_start3A_557, %dma_start3A_559, %dma_start3A_560] : memref<7x128x128xf32, #tpu.memory_space<vmem>> -> memref<1x128x128xf32, #tpu.memory_space<vmem>>
    %dma_start3A_562 = tpu.memref_squeeze %dma_start3A_561 : memref<1x128x128xf32, #tpu.memory_space<vmem>> -> memref<128x128xf32, #tpu.memory_space<vmem>>
    %dma_start3A_563 = arith.constant 768 : i32
    %dma_start3A_564 = tpu.memref_slice %arg7[%dma_start3A_563] : memref<1024xi32, #tpu.memory_space<vmem>> -> memref<128xi32, #tpu.memory_space<vmem>>
    %dma_start3A_565 = arith.constant 0 : i32
    %dma_start3A_566 = arith.constant 0 : i32
    %dma_start3A_567 = tpu.memref_slice %arg3[%dma_start3A_565, %dma_start3A_566] : memref<8192x128xf32, #tpu.memory_space<hbm>> -> memref<8192x128xf32, #tpu.memory_space<hbm>>
    %dma_start3A_568 = tpu.memref_slice %arg9[%dma_start3A_558] : memref<7x!tpu.dma_semaphore, #tpu.memory_space<semaphore_mem>> -> memref<1x!tpu.dma_semaphore, #tpu.memory_space<semaphore_mem>>
    %dma_start3A_569 = tpu.memref_squeeze %dma_start3A_568 : memref<1x!tpu.dma_semaphore, #tpu.memory_space<semaphore_mem>> -> memref<!tpu.dma_semaphore, #tpu.memory_space<semaphore_mem>>
    tpu.enqueue_indirect_dma source(%dma_start3A_567 : memref<8192x128xf32, #tpu.memory_space<hbm>>) target(%dma_start3A_562 : memref<128x128xf32, #tpu.memory_space<vmem>>) offsets(%dma_start3A_564 : memref<128xi32, #tpu.memory_space<vmem>>) semaphore(%dma_start3A_569 : memref<!tpu.dma_semaphore, #tpu.memory_space<semaphore_mem>>)
    %dma_wait3A_570 = arith.constant 0 : i32
    %dma_wait3A_571 = arith.constant 0 : i32
    %dma_wait3A_572 = arith.constant 0 : i32
    %dma_wait3A_573 = arith.constant 0 : i32
    %dma_wait3A_574 = tpu.memref_slice %arg8[%dma_wait3A_570, %dma_wait3A_572, %dma_wait3A_573] : memref<7x128x128xf32, #tpu.memory_space<vmem>> -> memref<1x128x128xf32, #tpu.memory_space<vmem>>
    %dma_wait3A_575 = tpu.memref_squeeze %dma_wait3A_574 : memref<1x128x128xf32, #tpu.memory_space<vmem>> -> memref<128x128xf32, #tpu.memory_space<vmem>>
    %dma_wait3A_576 = arith.constant 384 : i32
    %dma_wait3A_577 = tpu.memref_slice %arg7[%dma_wait3A_576] : memref<1024xi32, #tpu.memory_space<vmem>> -> memref<128xi32, #tpu.memory_space<vmem>>
    %dma_wait3A_578 = arith.constant 0 : i32
    %dma_wait3A_579 = arith.constant 0 : i32
    %dma_wait3A_580 = tpu.memref_slice %arg3[%dma_wait3A_578, %dma_wait3A_579] : memref<8192x128xf32, #tpu.memory_space<hbm>> -> memref<8192x128xf32, #tpu.memory_space<hbm>>
    %dma_wait3A_581 = tpu.memref_slice %arg9[%dma_wait3A_571] : memref<7x!tpu.dma_semaphore, #tpu.memory_space<semaphore_mem>> -> memref<1x!tpu.dma_semaphore, #tpu.memory_space<semaphore_mem>>
    %dma_wait3A_582 = tpu.memref_squeeze %dma_wait3A_581 : memref<1x!tpu.dma_semaphore, #tpu.memory_space<semaphore_mem>> -> memref<!tpu.dma_semaphore, #tpu.memory_space<semaphore_mem>>
    tpu.wait_indirect_dma semaphore(%dma_wait3A_582 : memref<!tpu.dma_semaphore, #tpu.memory_space<semaphore_mem>>) src(%dma_wait3A_580 : memref<8192x128xf32, #tpu.memory_space<hbm>>) dst(%dma_wait3A_575 : memref<128x128xf32, #tpu.memory_space<vmem>>)
    %mul3A_583 = arith.constant 8 : i32
    %mul3A_584 = arith.muli %add3A, %mul3A_583 : i32
    %add3A_585 = arith.constant 3 : i32
    %add3A_586 = arith.addi %mul3A_584, %add3A_585 : i32
    %mul3A_587 = arith.constant 128 : i32
    %mul3A_588 = arith.muli %add3A_586, %mul3A_587 : i32
    %dma_start3A_589 = arith.constant 0 : i32
    %dma_start3A_590 = arith.constant 0 : i32
    %dma_start3A_591 = arith.constant 0 : i32
    %dma_start3A_592 = arith.constant 0 : i32
    %dma_start3A_593 = tpu.memref_slice %arg8[%dma_start3A_589, %dma_start3A_591, %dma_start3A_592] : memref<7x128x128xf32, #tpu.memory_space<vmem>> -> memref<1x128x128xf32, #tpu.memory_space<vmem>>
    %dma_start3A_594 = tpu.memref_squeeze %dma_start3A_593 : memref<1x128x128xf32, #tpu.memory_space<vmem>> -> memref<128x128xf32, #tpu.memory_space<vmem>>
    %dma_start3A_595 = arith.constant 0 : i32
    %dma_start3A_596 = tpu.memref_slice %arg6[%mul3A_588, %dma_start3A_595] : memref<32768x128xf32, #tpu.memory_space<hbm>> -> memref<128x128xf32, #tpu.memory_space<hbm>>
    %dma_start3A_597 = tpu.memref_slice %arg10[%dma_start3A_590] : memref<7x!tpu.dma_semaphore, #tpu.memory_space<semaphore_mem>> -> memref<1x!tpu.dma_semaphore, #tpu.memory_space<semaphore_mem>>
    %dma_start3A_598 = tpu.memref_squeeze %dma_start3A_597 : memref<1x!tpu.dma_semaphore, #tpu.memory_space<semaphore_mem>> -> memref<!tpu.dma_semaphore, #tpu.memory_space<semaphore_mem>>
    %dma_start3A_599 = arith.constant 0 : i32
    %dma_start3A_600 = tpu.memref_slice %arg6[%mul3A_588, %dma_start3A_599] : memref<32768x128xf32, #tpu.memory_space<hbm>> -> memref<128x128xf32, #tpu.memory_space<hbm>>
    %dma_start3A_601 = arith.constant 0 : i32
    %dma_start3A_602 = arith.constant 0 : i32
    %dma_start3A_603 = tpu.memref_slice %arg8[%dma_start3A_589, %dma_start3A_601, %dma_start3A_602] : memref<7x128x128xf32, #tpu.memory_space<vmem>> -> memref<1x128x128xf32, #tpu.memory_space<vmem>>
    %dma_start3A_604 = tpu.memref_squeeze %dma_start3A_603 : memref<1x128x128xf32, #tpu.memory_space<vmem>> -> memref<128x128xf32, #tpu.memory_space<vmem>>
    tpu.enqueue_dma source(%dma_start3A_604 : memref<128x128xf32, #tpu.memory_space<vmem>>) target(%dma_start3A_600 : memref<128x128xf32, #tpu.memory_space<hbm>>) target_semaphore(%dma_start3A_598 : memref<!tpu.dma_semaphore, #tpu.memory_space<semaphore_mem>>)
    %dma_wait3A_605 = arith.constant 0 : i32
    %dma_wait3A_606 = arith.constant 0 : i32
    %dma_wait3A_607 = arith.constant 0 : i32
    %dma_wait3A_608 = arith.constant 0 : i32
    %dma_wait3A_609 = tpu.memref_slice %arg8[%dma_wait3A_605, %dma_wait3A_607, %dma_wait3A_608] : memref<7x128x128xf32, #tpu.memory_space<vmem>> -> memref<1x128x128xf32, #tpu.memory_space<vmem>>
    %dma_wait3A_610 = tpu.memref_squeeze %dma_wait3A_609 : memref<1x128x128xf32, #tpu.memory_space<vmem>> -> memref<128x128xf32, #tpu.memory_space<vmem>>
    %dma_wait3A_611 = arith.constant 0 : i32
    %dma_wait3A_612 = tpu.memref_slice %arg6[%mul3A_588, %dma_wait3A_611] : memref<32768x128xf32, #tpu.memory_space<hbm>> -> memref<128x128xf32, #tpu.memory_space<hbm>>
    %dma_wait3A_613 = tpu.memref_slice %arg10[%dma_wait3A_606] : memref<7x!tpu.dma_semaphore, #tpu.memory_space<semaphore_mem>> -> memref<1x!tpu.dma_semaphore, #tpu.memory_space<semaphore_mem>>
    %dma_wait3A_614 = tpu.memref_squeeze %dma_wait3A_613 : memref<1x!tpu.dma_semaphore, #tpu.memory_space<semaphore_mem>> -> memref<!tpu.dma_semaphore, #tpu.memory_space<semaphore_mem>>
    %dma_wait3A_615 = arith.constant 0 : i32
    %dma_wait3A_616 = tpu.memref_slice %arg6[%mul3A_588, %dma_wait3A_615] : memref<32768x128xf32, #tpu.memory_space<hbm>> -> memref<128x128xf32, #tpu.memory_space<hbm>>
    %dma_wait3A_617 = arith.constant 0 : i32
    %dma_wait3A_618 = arith.constant 0 : i32
    %dma_wait3A_619 = tpu.memref_slice %arg8[%dma_wait3A_605, %dma_wait3A_617, %dma_wait3A_618] : memref<7x128x128xf32, #tpu.memory_space<vmem>> -> memref<1x128x128xf32, #tpu.memory_space<vmem>>
    %dma_wait3A_620 = tpu.memref_squeeze %dma_wait3A_619 : memref<1x128x128xf32, #tpu.memory_space<vmem>> -> memref<128x128xf32, #tpu.memory_space<vmem>>
    tpu.wait_dma2 semaphore(%dma_wait3A_614 : memref<!tpu.dma_semaphore, #tpu.memory_space<semaphore_mem>>) src(%dma_wait3A_620 : memref<128x128xf32, #tpu.memory_space<vmem>>) dst(%dma_wait3A_616 : memref<128x128xf32, #tpu.memory_space<hbm>>)
    %dma_start3A_621 = arith.constant 0 : i32
    %dma_start3A_622 = arith.constant 0 : i32
    %dma_start3A_623 = arith.constant 0 : i32
    %dma_start3A_624 = arith.constant 0 : i32
    %dma_start3A_625 = tpu.memref_slice %arg8[%dma_start3A_621, %dma_start3A_623, %dma_start3A_624] : memref<7x128x128xf32, #tpu.memory_space<vmem>> -> memref<1x128x128xf32, #tpu.memory_space<vmem>>
    %dma_start3A_626 = tpu.memref_squeeze %dma_start3A_625 : memref<1x128x128xf32, #tpu.memory_space<vmem>> -> memref<128x128xf32, #tpu.memory_space<vmem>>
    %dma_start3A_627 = arith.constant 896 : i32
    %dma_start3A_628 = tpu.memref_slice %arg7[%dma_start3A_627] : memref<1024xi32, #tpu.memory_space<vmem>> -> memref<128xi32, #tpu.memory_space<vmem>>
    %dma_start3A_629 = arith.constant 0 : i32
    %dma_start3A_630 = arith.constant 0 : i32
    %dma_start3A_631 = tpu.memref_slice %arg2[%dma_start3A_629, %dma_start3A_630] : memref<8192x128xf32, #tpu.memory_space<hbm>> -> memref<8192x128xf32, #tpu.memory_space<hbm>>
    %dma_start3A_632 = tpu.memref_slice %arg9[%dma_start3A_622] : memref<7x!tpu.dma_semaphore, #tpu.memory_space<semaphore_mem>> -> memref<1x!tpu.dma_semaphore, #tpu.memory_space<semaphore_mem>>
    %dma_start3A_633 = tpu.memref_squeeze %dma_start3A_632 : memref<1x!tpu.dma_semaphore, #tpu.memory_space<semaphore_mem>> -> memref<!tpu.dma_semaphore, #tpu.memory_space<semaphore_mem>>
    tpu.enqueue_indirect_dma source(%dma_start3A_631 : memref<8192x128xf32, #tpu.memory_space<hbm>>) target(%dma_start3A_626 : memref<128x128xf32, #tpu.memory_space<vmem>>) offsets(%dma_start3A_628 : memref<128xi32, #tpu.memory_space<vmem>>) semaphore(%dma_start3A_633 : memref<!tpu.dma_semaphore, #tpu.memory_space<semaphore_mem>>)
    %dma_wait3A_634 = arith.constant 1 : i32
    %dma_wait3A_635 = arith.constant 1 : i32
    %dma_wait3A_636 = arith.constant 0 : i32
    %dma_wait3A_637 = arith.constant 0 : i32
    %dma_wait3A_638 = tpu.memref_slice %arg8[%dma_wait3A_634, %dma_wait3A_636, %dma_wait3A_637] : memref<7x128x128xf32, #tpu.memory_space<vmem>> -> memref<1x128x128xf32, #tpu.memory_space<vmem>>
    %dma_wait3A_639 = tpu.memref_squeeze %dma_wait3A_638 : memref<1x128x128xf32, #tpu.memory_space<vmem>> -> memref<128x128xf32, #tpu.memory_space<vmem>>
    %dma_wait3A_640 = arith.constant 512 : i32
    %dma_wait3A_641 = tpu.memref_slice %arg7[%dma_wait3A_640] : memref<1024xi32, #tpu.memory_space<vmem>> -> memref<128xi32, #tpu.memory_space<vmem>>
    %dma_wait3A_642 = arith.constant 0 : i32
    %dma_wait3A_643 = arith.constant 0 : i32
    %dma_wait3A_644 = tpu.memref_slice %arg2[%dma_wait3A_642, %dma_wait3A_643] : memref<8192x128xf32, #tpu.memory_space<hbm>> -> memref<8192x128xf32, #tpu.memory_space<hbm>>
    %dma_wait3A_645 = tpu.memref_slice %arg9[%dma_wait3A_635] : memref<7x!tpu.dma_semaphore, #tpu.memory_space<semaphore_mem>> -> memref<1x!tpu.dma_semaphore, #tpu.memory_space<semaphore_mem>>
    %dma_wait3A_646 = tpu.memref_squeeze %dma_wait3A_645 : memref<1x!tpu.dma_semaphore, #tpu.memory_space<semaphore_mem>> -> memref<!tpu.dma_semaphore, #tpu.memory_space<semaphore_mem>>
    tpu.wait_indirect_dma semaphore(%dma_wait3A_646 : memref<!tpu.dma_semaphore, #tpu.memory_space<semaphore_mem>>) src(%dma_wait3A_644 : memref<8192x128xf32, #tpu.memory_space<hbm>>) dst(%dma_wait3A_639 : memref<128x128xf32, #tpu.memory_space<vmem>>)
    %mul3A_647 = arith.constant 8 : i32
    %mul3A_648 = arith.muli %add3A, %mul3A_647 : i32
    %add3A_649 = arith.constant 4 : i32
    %add3A_650 = arith.addi %mul3A_648, %add3A_649 : i32
    %mul3A_651 = arith.constant 128 : i32
    %mul3A_652 = arith.muli %add3A_650, %mul3A_651 : i32
    %dma_start3A_653 = arith.constant 1 : i32
    %dma_start3A_654 = arith.constant 1 : i32
    %dma_start3A_655 = arith.constant 0 : i32
    %dma_start3A_656 = arith.constant 0 : i32
    %dma_start3A_657 = tpu.memref_slice %arg8[%dma_start3A_653, %dma_start3A_655, %dma_start3A_656] : memref<7x128x128xf32, #tpu.memory_space<vmem>> -> memref<1x128x128xf32, #tpu.memory_space<vmem>>
    %dma_start3A_658 = tpu.memref_squeeze %dma_start3A_657 : memref<1x128x128xf32, #tpu.memory_space<vmem>> -> memref<128x128xf32, #tpu.memory_space<vmem>>
    %dma_start3A_659 = arith.constant 0 : i32
    %dma_start3A_660 = tpu.memref_slice %arg5[%mul3A_652, %dma_start3A_659] : memref<32768x128xf32, #tpu.memory_space<hbm>> -> memref<128x128xf32, #tpu.memory_space<hbm>>
    %dma_start3A_661 = tpu.memref_slice %arg10[%dma_start3A_654] : memref<7x!tpu.dma_semaphore, #tpu.memory_space<semaphore_mem>> -> memref<1x!tpu.dma_semaphore, #tpu.memory_space<semaphore_mem>>
    %dma_start3A_662 = tpu.memref_squeeze %dma_start3A_661 : memref<1x!tpu.dma_semaphore, #tpu.memory_space<semaphore_mem>> -> memref<!tpu.dma_semaphore, #tpu.memory_space<semaphore_mem>>
    %dma_start3A_663 = arith.constant 0 : i32
    %dma_start3A_664 = tpu.memref_slice %arg5[%mul3A_652, %dma_start3A_663] : memref<32768x128xf32, #tpu.memory_space<hbm>> -> memref<128x128xf32, #tpu.memory_space<hbm>>
    %dma_start3A_665 = arith.constant 0 : i32
    %dma_start3A_666 = arith.constant 0 : i32
    %dma_start3A_667 = tpu.memref_slice %arg8[%dma_start3A_653, %dma_start3A_665, %dma_start3A_666] : memref<7x128x128xf32, #tpu.memory_space<vmem>> -> memref<1x128x128xf32, #tpu.memory_space<vmem>>
    %dma_start3A_668 = tpu.memref_squeeze %dma_start3A_667 : memref<1x128x128xf32, #tpu.memory_space<vmem>> -> memref<128x128xf32, #tpu.memory_space<vmem>>
    tpu.enqueue_dma source(%dma_start3A_668 : memref<128x128xf32, #tpu.memory_space<vmem>>) target(%dma_start3A_664 : memref<128x128xf32, #tpu.memory_space<hbm>>) target_semaphore(%dma_start3A_662 : memref<!tpu.dma_semaphore, #tpu.memory_space<semaphore_mem>>)
    %dma_wait3A_669 = arith.constant 1 : i32
    %dma_wait3A_670 = arith.constant 1 : i32
    %dma_wait3A_671 = arith.constant 0 : i32
    %dma_wait3A_672 = arith.constant 0 : i32
    %dma_wait3A_673 = tpu.memref_slice %arg8[%dma_wait3A_669, %dma_wait3A_671, %dma_wait3A_672] : memref<7x128x128xf32, #tpu.memory_space<vmem>> -> memref<1x128x128xf32, #tpu.memory_space<vmem>>
    %dma_wait3A_674 = tpu.memref_squeeze %dma_wait3A_673 : memref<1x128x128xf32, #tpu.memory_space<vmem>> -> memref<128x128xf32, #tpu.memory_space<vmem>>
    %dma_wait3A_675 = arith.constant 0 : i32
    %dma_wait3A_676 = tpu.memref_slice %arg5[%mul3A_652, %dma_wait3A_675] : memref<32768x128xf32, #tpu.memory_space<hbm>> -> memref<128x128xf32, #tpu.memory_space<hbm>>
    %dma_wait3A_677 = tpu.memref_slice %arg10[%dma_wait3A_670] : memref<7x!tpu.dma_semaphore, #tpu.memory_space<semaphore_mem>> -> memref<1x!tpu.dma_semaphore, #tpu.memory_space<semaphore_mem>>
    %dma_wait3A_678 = tpu.memref_squeeze %dma_wait3A_677 : memref<1x!tpu.dma_semaphore, #tpu.memory_space<semaphore_mem>> -> memref<!tpu.dma_semaphore, #tpu.memory_space<semaphore_mem>>
    %dma_wait3A_679 = arith.constant 0 : i32
    %dma_wait3A_680 = tpu.memref_slice %arg5[%mul3A_652, %dma_wait3A_679] : memref<32768x128xf32, #tpu.memory_space<hbm>> -> memref<128x128xf32, #tpu.memory_space<hbm>>
    %dma_wait3A_681 = arith.constant 0 : i32
    %dma_wait3A_682 = arith.constant 0 : i32
    %dma_wait3A_683 = tpu.memref_slice %arg8[%dma_wait3A_669, %dma_wait3A_681, %dma_wait3A_682] : memref<7x128x128xf32, #tpu.memory_space<vmem>> -> memref<1x128x128xf32, #tpu.memory_space<vmem>>
    %dma_wait3A_684 = tpu.memref_squeeze %dma_wait3A_683 : memref<1x128x128xf32, #tpu.memory_space<vmem>> -> memref<128x128xf32, #tpu.memory_space<vmem>>
    tpu.wait_dma2 semaphore(%dma_wait3A_678 : memref<!tpu.dma_semaphore, #tpu.memory_space<semaphore_mem>>) src(%dma_wait3A_684 : memref<128x128xf32, #tpu.memory_space<vmem>>) dst(%dma_wait3A_680 : memref<128x128xf32, #tpu.memory_space<hbm>>)
    %dma_start3A_685 = arith.constant 1 : i32
    %dma_start3A_686 = arith.constant 1 : i32
    %dma_start3A_687 = arith.constant 0 : i32
    %dma_start3A_688 = arith.constant 0 : i32
    %dma_start3A_689 = tpu.memref_slice %arg8[%dma_start3A_685, %dma_start3A_687, %dma_start3A_688] : memref<7x128x128xf32, #tpu.memory_space<vmem>> -> memref<1x128x128xf32, #tpu.memory_space<vmem>>
    %dma_start3A_690 = tpu.memref_squeeze %dma_start3A_689 : memref<1x128x128xf32, #tpu.memory_space<vmem>> -> memref<128x128xf32, #tpu.memory_space<vmem>>
    %dma_start3A_691 = arith.constant 896 : i32
    %dma_start3A_692 = tpu.memref_slice %arg7[%dma_start3A_691] : memref<1024xi32, #tpu.memory_space<vmem>> -> memref<128xi32, #tpu.memory_space<vmem>>
    %dma_start3A_693 = arith.constant 0 : i32
    %dma_start3A_694 = arith.constant 0 : i32
    %dma_start3A_695 = tpu.memref_slice %arg3[%dma_start3A_693, %dma_start3A_694] : memref<8192x128xf32, #tpu.memory_space<hbm>> -> memref<8192x128xf32, #tpu.memory_space<hbm>>
    %dma_start3A_696 = tpu.memref_slice %arg9[%dma_start3A_686] : memref<7x!tpu.dma_semaphore, #tpu.memory_space<semaphore_mem>> -> memref<1x!tpu.dma_semaphore, #tpu.memory_space<semaphore_mem>>
    %dma_start3A_697 = tpu.memref_squeeze %dma_start3A_696 : memref<1x!tpu.dma_semaphore, #tpu.memory_space<semaphore_mem>> -> memref<!tpu.dma_semaphore, #tpu.memory_space<semaphore_mem>>
    tpu.enqueue_indirect_dma source(%dma_start3A_695 : memref<8192x128xf32, #tpu.memory_space<hbm>>) target(%dma_start3A_690 : memref<128x128xf32, #tpu.memory_space<vmem>>) offsets(%dma_start3A_692 : memref<128xi32, #tpu.memory_space<vmem>>) semaphore(%dma_start3A_697 : memref<!tpu.dma_semaphore, #tpu.memory_space<semaphore_mem>>)
    %dma_wait3A_698 = arith.constant 2 : i32
    %dma_wait3A_699 = arith.constant 2 : i32
    %dma_wait3A_700 = arith.constant 0 : i32
    %dma_wait3A_701 = arith.constant 0 : i32
    %dma_wait3A_702 = tpu.memref_slice %arg8[%dma_wait3A_698, %dma_wait3A_700, %dma_wait3A_701] : memref<7x128x128xf32, #tpu.memory_space<vmem>> -> memref<1x128x128xf32, #tpu.memory_space<vmem>>
    %dma_wait3A_703 = tpu.memref_squeeze %dma_wait3A_702 : memref<1x128x128xf32, #tpu.memory_space<vmem>> -> memref<128x128xf32, #tpu.memory_space<vmem>>
    %dma_wait3A_704 = arith.constant 512 : i32
    %dma_wait3A_705 = tpu.memref_slice %arg7[%dma_wait3A_704] : memref<1024xi32, #tpu.memory_space<vmem>> -> memref<128xi32, #tpu.memory_space<vmem>>
    %dma_wait3A_706 = arith.constant 0 : i32
    %dma_wait3A_707 = arith.constant 0 : i32
    %dma_wait3A_708 = tpu.memref_slice %arg3[%dma_wait3A_706, %dma_wait3A_707] : memref<8192x128xf32, #tpu.memory_space<hbm>> -> memref<8192x128xf32, #tpu.memory_space<hbm>>
    %dma_wait3A_709 = tpu.memref_slice %arg9[%dma_wait3A_699] : memref<7x!tpu.dma_semaphore, #tpu.memory_space<semaphore_mem>> -> memref<1x!tpu.dma_semaphore, #tpu.memory_space<semaphore_mem>>
    %dma_wait3A_710 = tpu.memref_squeeze %dma_wait3A_709 : memref<1x!tpu.dma_semaphore, #tpu.memory_space<semaphore_mem>> -> memref<!tpu.dma_semaphore, #tpu.memory_space<semaphore_mem>>
    tpu.wait_indirect_dma semaphore(%dma_wait3A_710 : memref<!tpu.dma_semaphore, #tpu.memory_space<semaphore_mem>>) src(%dma_wait3A_708 : memref<8192x128xf32, #tpu.memory_space<hbm>>) dst(%dma_wait3A_703 : memref<128x128xf32, #tpu.memory_space<vmem>>)
    %mul3A_711 = arith.constant 8 : i32
    %mul3A_712 = arith.muli %add3A, %mul3A_711 : i32
    %add3A_713 = arith.constant 4 : i32
    %add3A_714 = arith.addi %mul3A_712, %add3A_713 : i32
    %mul3A_715 = arith.constant 128 : i32
    %mul3A_716 = arith.muli %add3A_714, %mul3A_715 : i32
    %dma_start3A_717 = arith.constant 2 : i32
    %dma_start3A_718 = arith.constant 2 : i32
    %dma_start3A_719 = arith.constant 0 : i32
    %dma_start3A_720 = arith.constant 0 : i32
    %dma_start3A_721 = tpu.memref_slice %arg8[%dma_start3A_717, %dma_start3A_719, %dma_start3A_720] : memref<7x128x128xf32, #tpu.memory_space<vmem>> -> memref<1x128x128xf32, #tpu.memory_space<vmem>>
    %dma_start3A_722 = tpu.memref_squeeze %dma_start3A_721 : memref<1x128x128xf32, #tpu.memory_space<vmem>> -> memref<128x128xf32, #tpu.memory_space<vmem>>
    %dma_start3A_723 = arith.constant 0 : i32
    %dma_start3A_724 = tpu.memref_slice %arg6[%mul3A_716, %dma_start3A_723] : memref<32768x128xf32, #tpu.memory_space<hbm>> -> memref<128x128xf32, #tpu.memory_space<hbm>>
    %dma_start3A_725 = tpu.memref_slice %arg10[%dma_start3A_718] : memref<7x!tpu.dma_semaphore, #tpu.memory_space<semaphore_mem>> -> memref<1x!tpu.dma_semaphore, #tpu.memory_space<semaphore_mem>>
    %dma_start3A_726 = tpu.memref_squeeze %dma_start3A_725 : memref<1x!tpu.dma_semaphore, #tpu.memory_space<semaphore_mem>> -> memref<!tpu.dma_semaphore, #tpu.memory_space<semaphore_mem>>
    %dma_start3A_727 = arith.constant 0 : i32
    %dma_start3A_728 = tpu.memref_slice %arg6[%mul3A_716, %dma_start3A_727] : memref<32768x128xf32, #tpu.memory_space<hbm>> -> memref<128x128xf32, #tpu.memory_space<hbm>>
    %dma_start3A_729 = arith.constant 0 : i32
    %dma_start3A_730 = arith.constant 0 : i32
    %dma_start3A_731 = tpu.memref_slice %arg8[%dma_start3A_717, %dma_start3A_729, %dma_start3A_730] : memref<7x128x128xf32, #tpu.memory_space<vmem>> -> memref<1x128x128xf32, #tpu.memory_space<vmem>>
    %dma_start3A_732 = tpu.memref_squeeze %dma_start3A_731 : memref<1x128x128xf32, #tpu.memory_space<vmem>> -> memref<128x128xf32, #tpu.memory_space<vmem>>
    tpu.enqueue_dma source(%dma_start3A_732 : memref<128x128xf32, #tpu.memory_space<vmem>>) target(%dma_start3A_728 : memref<128x128xf32, #tpu.memory_space<hbm>>) target_semaphore(%dma_start3A_726 : memref<!tpu.dma_semaphore, #tpu.memory_space<semaphore_mem>>)
    %dma_wait3A_733 = arith.constant 3 : i32
    %dma_wait3A_734 = arith.constant 3 : i32
    %dma_wait3A_735 = arith.constant 0 : i32
    %dma_wait3A_736 = arith.constant 0 : i32
    %dma_wait3A_737 = tpu.memref_slice %arg8[%dma_wait3A_733, %dma_wait3A_735, %dma_wait3A_736] : memref<7x128x128xf32, #tpu.memory_space<vmem>> -> memref<1x128x128xf32, #tpu.memory_space<vmem>>
    %dma_wait3A_738 = tpu.memref_squeeze %dma_wait3A_737 : memref<1x128x128xf32, #tpu.memory_space<vmem>> -> memref<128x128xf32, #tpu.memory_space<vmem>>
    %dma_wait3A_739 = arith.constant 640 : i32
    %dma_wait3A_740 = tpu.memref_slice %arg7[%dma_wait3A_739] : memref<1024xi32, #tpu.memory_space<vmem>> -> memref<128xi32, #tpu.memory_space<vmem>>
    %dma_wait3A_741 = arith.constant 0 : i32
    %dma_wait3A_742 = arith.constant 0 : i32
    %dma_wait3A_743 = tpu.memref_slice %arg2[%dma_wait3A_741, %dma_wait3A_742] : memref<8192x128xf32, #tpu.memory_space<hbm>> -> memref<8192x128xf32, #tpu.memory_space<hbm>>
    %dma_wait3A_744 = tpu.memref_slice %arg9[%dma_wait3A_734] : memref<7x!tpu.dma_semaphore, #tpu.memory_space<semaphore_mem>> -> memref<1x!tpu.dma_semaphore, #tpu.memory_space<semaphore_mem>>
    %dma_wait3A_745 = tpu.memref_squeeze %dma_wait3A_744 : memref<1x!tpu.dma_semaphore, #tpu.memory_space<semaphore_mem>> -> memref<!tpu.dma_semaphore, #tpu.memory_space<semaphore_mem>>
    tpu.wait_indirect_dma semaphore(%dma_wait3A_745 : memref<!tpu.dma_semaphore, #tpu.memory_space<semaphore_mem>>) src(%dma_wait3A_743 : memref<8192x128xf32, #tpu.memory_space<hbm>>) dst(%dma_wait3A_738 : memref<128x128xf32, #tpu.memory_space<vmem>>)
    %mul3A_746 = arith.constant 8 : i32
    %mul3A_747 = arith.muli %add3A, %mul3A_746 : i32
    %add3A_748 = arith.constant 5 : i32
    %add3A_749 = arith.addi %mul3A_747, %add3A_748 : i32
    %mul3A_750 = arith.constant 128 : i32
    %mul3A_751 = arith.muli %add3A_749, %mul3A_750 : i32
    %dma_start3A_752 = arith.constant 3 : i32
    %dma_start3A_753 = arith.constant 3 : i32
    %dma_start3A_754 = arith.constant 0 : i32
    %dma_start3A_755 = arith.constant 0 : i32
    %dma_start3A_756 = tpu.memref_slice %arg8[%dma_start3A_752, %dma_start3A_754, %dma_start3A_755] : memref<7x128x128xf32, #tpu.memory_space<vmem>> -> memref<1x128x128xf32, #tpu.memory_space<vmem>>
    %dma_start3A_757 = tpu.memref_squeeze %dma_start3A_756 : memref<1x128x128xf32, #tpu.memory_space<vmem>> -> memref<128x128xf32, #tpu.memory_space<vmem>>
    %dma_start3A_758 = arith.constant 0 : i32
    %dma_start3A_759 = tpu.memref_slice %arg5[%mul3A_751, %dma_start3A_758] : memref<32768x128xf32, #tpu.memory_space<hbm>> -> memref<128x128xf32, #tpu.memory_space<hbm>>
    %dma_start3A_760 = tpu.memref_slice %arg10[%dma_start3A_753] : memref<7x!tpu.dma_semaphore, #tpu.memory_space<semaphore_mem>> -> memref<1x!tpu.dma_semaphore, #tpu.memory_space<semaphore_mem>>
    %dma_start3A_761 = tpu.memref_squeeze %dma_start3A_760 : memref<1x!tpu.dma_semaphore, #tpu.memory_space<semaphore_mem>> -> memref<!tpu.dma_semaphore, #tpu.memory_space<semaphore_mem>>
    %dma_start3A_762 = arith.constant 0 : i32
    %dma_start3A_763 = tpu.memref_slice %arg5[%mul3A_751, %dma_start3A_762] : memref<32768x128xf32, #tpu.memory_space<hbm>> -> memref<128x128xf32, #tpu.memory_space<hbm>>
    %dma_start3A_764 = arith.constant 0 : i32
    %dma_start3A_765 = arith.constant 0 : i32
    %dma_start3A_766 = tpu.memref_slice %arg8[%dma_start3A_752, %dma_start3A_764, %dma_start3A_765] : memref<7x128x128xf32, #tpu.memory_space<vmem>> -> memref<1x128x128xf32, #tpu.memory_space<vmem>>
    %dma_start3A_767 = tpu.memref_squeeze %dma_start3A_766 : memref<1x128x128xf32, #tpu.memory_space<vmem>> -> memref<128x128xf32, #tpu.memory_space<vmem>>
    tpu.enqueue_dma source(%dma_start3A_767 : memref<128x128xf32, #tpu.memory_space<vmem>>) target(%dma_start3A_763 : memref<128x128xf32, #tpu.memory_space<hbm>>) target_semaphore(%dma_start3A_761 : memref<!tpu.dma_semaphore, #tpu.memory_space<semaphore_mem>>)
    %dma_wait3A_768 = arith.constant 4 : i32
    %dma_wait3A_769 = arith.constant 4 : i32
    %dma_wait3A_770 = arith.constant 0 : i32
    %dma_wait3A_771 = arith.constant 0 : i32
    %dma_wait3A_772 = tpu.memref_slice %arg8[%dma_wait3A_768, %dma_wait3A_770, %dma_wait3A_771] : memref<7x128x128xf32, #tpu.memory_space<vmem>> -> memref<1x128x128xf32, #tpu.memory_space<vmem>>
    %dma_wait3A_773 = tpu.memref_squeeze %dma_wait3A_772 : memref<1x128x128xf32, #tpu.memory_space<vmem>> -> memref<128x128xf32, #tpu.memory_space<vmem>>
    %dma_wait3A_774 = arith.constant 640 : i32
    %dma_wait3A_775 = tpu.memref_slice %arg7[%dma_wait3A_774] : memref<1024xi32, #tpu.memory_space<vmem>> -> memref<128xi32, #tpu.memory_space<vmem>>
    %dma_wait3A_776 = arith.constant 0 : i32
    %dma_wait3A_777 = arith.constant 0 : i32
    %dma_wait3A_778 = tpu.memref_slice %arg3[%dma_wait3A_776, %dma_wait3A_777] : memref<8192x128xf32, #tpu.memory_space<hbm>> -> memref<8192x128xf32, #tpu.memory_space<hbm>>
    %dma_wait3A_779 = tpu.memref_slice %arg9[%dma_wait3A_769] : memref<7x!tpu.dma_semaphore, #tpu.memory_space<semaphore_mem>> -> memref<1x!tpu.dma_semaphore, #tpu.memory_space<semaphore_mem>>
    %dma_wait3A_780 = tpu.memref_squeeze %dma_wait3A_779 : memref<1x!tpu.dma_semaphore, #tpu.memory_space<semaphore_mem>> -> memref<!tpu.dma_semaphore, #tpu.memory_space<semaphore_mem>>
    tpu.wait_indirect_dma semaphore(%dma_wait3A_780 : memref<!tpu.dma_semaphore, #tpu.memory_space<semaphore_mem>>) src(%dma_wait3A_778 : memref<8192x128xf32, #tpu.memory_space<hbm>>) dst(%dma_wait3A_773 : memref<128x128xf32, #tpu.memory_space<vmem>>)
    %mul3A_781 = arith.constant 8 : i32
    %mul3A_782 = arith.muli %add3A, %mul3A_781 : i32
    %add3A_783 = arith.constant 5 : i32
    %add3A_784 = arith.addi %mul3A_782, %add3A_783 : i32
    %mul3A_785 = arith.constant 128 : i32
    %mul3A_786 = arith.muli %add3A_784, %mul3A_785 : i32
    %dma_start3A_787 = arith.constant 4 : i32
    %dma_start3A_788 = arith.constant 4 : i32
    %dma_start3A_789 = arith.constant 0 : i32
    %dma_start3A_790 = arith.constant 0 : i32
    %dma_start3A_791 = tpu.memref_slice %arg8[%dma_start3A_787, %dma_start3A_789, %dma_start3A_790] : memref<7x128x128xf32, #tpu.memory_space<vmem>> -> memref<1x128x128xf32, #tpu.memory_space<vmem>>
    %dma_start3A_792 = tpu.memref_squeeze %dma_start3A_791 : memref<1x128x128xf32, #tpu.memory_space<vmem>> -> memref<128x128xf32, #tpu.memory_space<vmem>>
    %dma_start3A_793 = arith.constant 0 : i32
    %dma_start3A_794 = tpu.memref_slice %arg6[%mul3A_786, %dma_start3A_793] : memref<32768x128xf32, #tpu.memory_space<hbm>> -> memref<128x128xf32, #tpu.memory_space<hbm>>
    %dma_start3A_795 = tpu.memref_slice %arg10[%dma_start3A_788] : memref<7x!tpu.dma_semaphore, #tpu.memory_space<semaphore_mem>> -> memref<1x!tpu.dma_semaphore, #tpu.memory_space<semaphore_mem>>
    %dma_start3A_796 = tpu.memref_squeeze %dma_start3A_795 : memref<1x!tpu.dma_semaphore, #tpu.memory_space<semaphore_mem>> -> memref<!tpu.dma_semaphore, #tpu.memory_space<semaphore_mem>>
    %dma_start3A_797 = arith.constant 0 : i32
    %dma_start3A_798 = tpu.memref_slice %arg6[%mul3A_786, %dma_start3A_797] : memref<32768x128xf32, #tpu.memory_space<hbm>> -> memref<128x128xf32, #tpu.memory_space<hbm>>
    %dma_start3A_799 = arith.constant 0 : i32
    %dma_start3A_800 = arith.constant 0 : i32
    %dma_start3A_801 = tpu.memref_slice %arg8[%dma_start3A_787, %dma_start3A_799, %dma_start3A_800] : memref<7x128x128xf32, #tpu.memory_space<vmem>> -> memref<1x128x128xf32, #tpu.memory_space<vmem>>
    %dma_start3A_802 = tpu.memref_squeeze %dma_start3A_801 : memref<1x128x128xf32, #tpu.memory_space<vmem>> -> memref<128x128xf32, #tpu.memory_space<vmem>>
    tpu.enqueue_dma source(%dma_start3A_802 : memref<128x128xf32, #tpu.memory_space<vmem>>) target(%dma_start3A_798 : memref<128x128xf32, #tpu.memory_space<hbm>>) target_semaphore(%dma_start3A_796 : memref<!tpu.dma_semaphore, #tpu.memory_space<semaphore_mem>>)
    %dma_wait3A_803 = arith.constant 5 : i32
    %dma_wait3A_804 = arith.constant 5 : i32
    %dma_wait3A_805 = arith.constant 0 : i32
    %dma_wait3A_806 = arith.constant 0 : i32
    %dma_wait3A_807 = tpu.memref_slice %arg8[%dma_wait3A_803, %dma_wait3A_805, %dma_wait3A_806] : memref<7x128x128xf32, #tpu.memory_space<vmem>> -> memref<1x128x128xf32, #tpu.memory_space<vmem>>
    %dma_wait3A_808 = tpu.memref_squeeze %dma_wait3A_807 : memref<1x128x128xf32, #tpu.memory_space<vmem>> -> memref<128x128xf32, #tpu.memory_space<vmem>>
    %dma_wait3A_809 = arith.constant 768 : i32
    %dma_wait3A_810 = tpu.memref_slice %arg7[%dma_wait3A_809] : memref<1024xi32, #tpu.memory_space<vmem>> -> memref<128xi32, #tpu.memory_space<vmem>>
    %dma_wait3A_811 = arith.constant 0 : i32
    %dma_wait3A_812 = arith.constant 0 : i32
    %dma_wait3A_813 = tpu.memref_slice %arg2[%dma_wait3A_811, %dma_wait3A_812] : memref<8192x128xf32, #tpu.memory_space<hbm>> -> memref<8192x128xf32, #tpu.memory_space<hbm>>
    %dma_wait3A_814 = tpu.memref_slice %arg9[%dma_wait3A_804] : memref<7x!tpu.dma_semaphore, #tpu.memory_space<semaphore_mem>> -> memref<1x!tpu.dma_semaphore, #tpu.memory_space<semaphore_mem>>
    %dma_wait3A_815 = tpu.memref_squeeze %dma_wait3A_814 : memref<1x!tpu.dma_semaphore, #tpu.memory_space<semaphore_mem>> -> memref<!tpu.dma_semaphore, #tpu.memory_space<semaphore_mem>>
    tpu.wait_indirect_dma semaphore(%dma_wait3A_815 : memref<!tpu.dma_semaphore, #tpu.memory_space<semaphore_mem>>) src(%dma_wait3A_813 : memref<8192x128xf32, #tpu.memory_space<hbm>>) dst(%dma_wait3A_808 : memref<128x128xf32, #tpu.memory_space<vmem>>)
    %mul3A_816 = arith.constant 8 : i32
    %mul3A_817 = arith.muli %add3A, %mul3A_816 : i32
    %add3A_818 = arith.constant 6 : i32
    %add3A_819 = arith.addi %mul3A_817, %add3A_818 : i32
    %mul3A_820 = arith.constant 128 : i32
    %mul3A_821 = arith.muli %add3A_819, %mul3A_820 : i32
    %dma_start3A_822 = arith.constant 5 : i32
    %dma_start3A_823 = arith.constant 5 : i32
    %dma_start3A_824 = arith.constant 0 : i32
    %dma_start3A_825 = arith.constant 0 : i32
    %dma_start3A_826 = tpu.memref_slice %arg8[%dma_start3A_822, %dma_start3A_824, %dma_start3A_825] : memref<7x128x128xf32, #tpu.memory_space<vmem>> -> memref<1x128x128xf32, #tpu.memory_space<vmem>>
    %dma_start3A_827 = tpu.memref_squeeze %dma_start3A_826 : memref<1x128x128xf32, #tpu.memory_space<vmem>> -> memref<128x128xf32, #tpu.memory_space<vmem>>
    %dma_start3A_828 = arith.constant 0 : i32
    %dma_start3A_829 = tpu.memref_slice %arg5[%mul3A_821, %dma_start3A_828] : memref<32768x128xf32, #tpu.memory_space<hbm>> -> memref<128x128xf32, #tpu.memory_space<hbm>>
    %dma_start3A_830 = tpu.memref_slice %arg10[%dma_start3A_823] : memref<7x!tpu.dma_semaphore, #tpu.memory_space<semaphore_mem>> -> memref<1x!tpu.dma_semaphore, #tpu.memory_space<semaphore_mem>>
    %dma_start3A_831 = tpu.memref_squeeze %dma_start3A_830 : memref<1x!tpu.dma_semaphore, #tpu.memory_space<semaphore_mem>> -> memref<!tpu.dma_semaphore, #tpu.memory_space<semaphore_mem>>
    %dma_start3A_832 = arith.constant 0 : i32
    %dma_start3A_833 = tpu.memref_slice %arg5[%mul3A_821, %dma_start3A_832] : memref<32768x128xf32, #tpu.memory_space<hbm>> -> memref<128x128xf32, #tpu.memory_space<hbm>>
    %dma_start3A_834 = arith.constant 0 : i32
    %dma_start3A_835 = arith.constant 0 : i32
    %dma_start3A_836 = tpu.memref_slice %arg8[%dma_start3A_822, %dma_start3A_834, %dma_start3A_835] : memref<7x128x128xf32, #tpu.memory_space<vmem>> -> memref<1x128x128xf32, #tpu.memory_space<vmem>>
    %dma_start3A_837 = tpu.memref_squeeze %dma_start3A_836 : memref<1x128x128xf32, #tpu.memory_space<vmem>> -> memref<128x128xf32, #tpu.memory_space<vmem>>
    tpu.enqueue_dma source(%dma_start3A_837 : memref<128x128xf32, #tpu.memory_space<vmem>>) target(%dma_start3A_833 : memref<128x128xf32, #tpu.memory_space<hbm>>) target_semaphore(%dma_start3A_831 : memref<!tpu.dma_semaphore, #tpu.memory_space<semaphore_mem>>)
    %dma_wait3A_838 = arith.constant 6 : i32
    %dma_wait3A_839 = arith.constant 6 : i32
    %dma_wait3A_840 = arith.constant 0 : i32
    %dma_wait3A_841 = arith.constant 0 : i32
    %dma_wait3A_842 = tpu.memref_slice %arg8[%dma_wait3A_838, %dma_wait3A_840, %dma_wait3A_841] : memref<7x128x128xf32, #tpu.memory_space<vmem>> -> memref<1x128x128xf32, #tpu.memory_space<vmem>>
    %dma_wait3A_843 = tpu.memref_squeeze %dma_wait3A_842 : memref<1x128x128xf32, #tpu.memory_space<vmem>> -> memref<128x128xf32, #tpu.memory_space<vmem>>
    %dma_wait3A_844 = arith.constant 768 : i32
    %dma_wait3A_845 = tpu.memref_slice %arg7[%dma_wait3A_844] : memref<1024xi32, #tpu.memory_space<vmem>> -> memref<128xi32, #tpu.memory_space<vmem>>
    %dma_wait3A_846 = arith.constant 0 : i32
    %dma_wait3A_847 = arith.constant 0 : i32
    %dma_wait3A_848 = tpu.memref_slice %arg3[%dma_wait3A_846, %dma_wait3A_847] : memref<8192x128xf32, #tpu.memory_space<hbm>> -> memref<8192x128xf32, #tpu.memory_space<hbm>>
    %dma_wait3A_849 = tpu.memref_slice %arg9[%dma_wait3A_839] : memref<7x!tpu.dma_semaphore, #tpu.memory_space<semaphore_mem>> -> memref<1x!tpu.dma_semaphore, #tpu.memory_space<semaphore_mem>>
    %dma_wait3A_850 = tpu.memref_squeeze %dma_wait3A_849 : memref<1x!tpu.dma_semaphore, #tpu.memory_space<semaphore_mem>> -> memref<!tpu.dma_semaphore, #tpu.memory_space<semaphore_mem>>
    tpu.wait_indirect_dma semaphore(%dma_wait3A_850 : memref<!tpu.dma_semaphore, #tpu.memory_space<semaphore_mem>>) src(%dma_wait3A_848 : memref<8192x128xf32, #tpu.memory_space<hbm>>) dst(%dma_wait3A_843 : memref<128x128xf32, #tpu.memory_space<vmem>>)
    %mul3A_851 = arith.constant 8 : i32
    %mul3A_852 = arith.muli %add3A, %mul3A_851 : i32
    %add3A_853 = arith.constant 6 : i32
    %add3A_854 = arith.addi %mul3A_852, %add3A_853 : i32
    %mul3A_855 = arith.constant 128 : i32
    %mul3A_856 = arith.muli %add3A_854, %mul3A_855 : i32
    %dma_start3A_857 = arith.constant 6 : i32
    %dma_start3A_858 = arith.constant 6 : i32
    %dma_start3A_859 = arith.constant 0 : i32
    %dma_start3A_860 = arith.constant 0 : i32
    %dma_start3A_861 = tpu.memref_slice %arg8[%dma_start3A_857, %dma_start3A_859, %dma_start3A_860] : memref<7x128x128xf32, #tpu.memory_space<vmem>> -> memref<1x128x128xf32, #tpu.memory_space<vmem>>
    %dma_start3A_862 = tpu.memref_squeeze %dma_start3A_861 : memref<1x128x128xf32, #tpu.memory_space<vmem>> -> memref<128x128xf32, #tpu.memory_space<vmem>>
    %dma_start3A_863 = arith.constant 0 : i32
    %dma_start3A_864 = tpu.memref_slice %arg6[%mul3A_856, %dma_start3A_863] : memref<32768x128xf32, #tpu.memory_space<hbm>> -> memref<128x128xf32, #tpu.memory_space<hbm>>
    %dma_start3A_865 = tpu.memref_slice %arg10[%dma_start3A_858] : memref<7x!tpu.dma_semaphore, #tpu.memory_space<semaphore_mem>> -> memref<1x!tpu.dma_semaphore, #tpu.memory_space<semaphore_mem>>
    %dma_start3A_866 = tpu.memref_squeeze %dma_start3A_865 : memref<1x!tpu.dma_semaphore, #tpu.memory_space<semaphore_mem>> -> memref<!tpu.dma_semaphore, #tpu.memory_space<semaphore_mem>>
    %dma_start3A_867 = arith.constant 0 : i32
    %dma_start3A_868 = tpu.memref_slice %arg6[%mul3A_856, %dma_start3A_867] : memref<32768x128xf32, #tpu.memory_space<hbm>> -> memref<128x128xf32, #tpu.memory_space<hbm>>
    %dma_start3A_869 = arith.constant 0 : i32
    %dma_start3A_870 = arith.constant 0 : i32
    %dma_start3A_871 = tpu.memref_slice %arg8[%dma_start3A_857, %dma_start3A_869, %dma_start3A_870] : memref<7x128x128xf32, #tpu.memory_space<vmem>> -> memref<1x128x128xf32, #tpu.memory_space<vmem>>
    %dma_start3A_872 = tpu.memref_squeeze %dma_start3A_871 : memref<1x128x128xf32, #tpu.memory_space<vmem>> -> memref<128x128xf32, #tpu.memory_space<vmem>>
    tpu.enqueue_dma source(%dma_start3A_872 : memref<128x128xf32, #tpu.memory_space<vmem>>) target(%dma_start3A_868 : memref<128x128xf32, #tpu.memory_space<hbm>>) target_semaphore(%dma_start3A_866 : memref<!tpu.dma_semaphore, #tpu.memory_space<semaphore_mem>>)
    %dma_wait3A_873 = arith.constant 0 : i32
    %dma_wait3A_874 = arith.constant 0 : i32
    %dma_wait3A_875 = arith.constant 0 : i32
    %dma_wait3A_876 = arith.constant 0 : i32
    %dma_wait3A_877 = tpu.memref_slice %arg8[%dma_wait3A_873, %dma_wait3A_875, %dma_wait3A_876] : memref<7x128x128xf32, #tpu.memory_space<vmem>> -> memref<1x128x128xf32, #tpu.memory_space<vmem>>
    %dma_wait3A_878 = tpu.memref_squeeze %dma_wait3A_877 : memref<1x128x128xf32, #tpu.memory_space<vmem>> -> memref<128x128xf32, #tpu.memory_space<vmem>>
    %dma_wait3A_879 = arith.constant 896 : i32
    %dma_wait3A_880 = tpu.memref_slice %arg7[%dma_wait3A_879] : memref<1024xi32, #tpu.memory_space<vmem>> -> memref<128xi32, #tpu.memory_space<vmem>>
    %dma_wait3A_881 = arith.constant 0 : i32
    %dma_wait3A_882 = arith.constant 0 : i32
    %dma_wait3A_883 = tpu.memref_slice %arg2[%dma_wait3A_881, %dma_wait3A_882] : memref<8192x128xf32, #tpu.memory_space<hbm>> -> memref<8192x128xf32, #tpu.memory_space<hbm>>
    %dma_wait3A_884 = tpu.memref_slice %arg9[%dma_wait3A_874] : memref<7x!tpu.dma_semaphore, #tpu.memory_space<semaphore_mem>> -> memref<1x!tpu.dma_semaphore, #tpu.memory_space<semaphore_mem>>
    %dma_wait3A_885 = tpu.memref_squeeze %dma_wait3A_884 : memref<1x!tpu.dma_semaphore, #tpu.memory_space<semaphore_mem>> -> memref<!tpu.dma_semaphore, #tpu.memory_space<semaphore_mem>>
    tpu.wait_indirect_dma semaphore(%dma_wait3A_885 : memref<!tpu.dma_semaphore, #tpu.memory_space<semaphore_mem>>) src(%dma_wait3A_883 : memref<8192x128xf32, #tpu.memory_space<hbm>>) dst(%dma_wait3A_878 : memref<128x128xf32, #tpu.memory_space<vmem>>)
    %mul3A_886 = arith.constant 8 : i32
    %mul3A_887 = arith.muli %add3A, %mul3A_886 : i32
    %add3A_888 = arith.constant 7 : i32
    %add3A_889 = arith.addi %mul3A_887, %add3A_888 : i32
    %mul3A_890 = arith.constant 128 : i32
    %mul3A_891 = arith.muli %add3A_889, %mul3A_890 : i32
    %dma_start3A_892 = arith.constant 0 : i32
    %dma_start3A_893 = arith.constant 0 : i32
    %dma_start3A_894 = arith.constant 0 : i32
    %dma_start3A_895 = arith.constant 0 : i32
    %dma_start3A_896 = tpu.memref_slice %arg8[%dma_start3A_892, %dma_start3A_894, %dma_start3A_895] : memref<7x128x128xf32, #tpu.memory_space<vmem>> -> memref<1x128x128xf32, #tpu.memory_space<vmem>>
    %dma_start3A_897 = tpu.memref_squeeze %dma_start3A_896 : memref<1x128x128xf32, #tpu.memory_space<vmem>> -> memref<128x128xf32, #tpu.memory_space<vmem>>
    %dma_start3A_898 = arith.constant 0 : i32
    %dma_start3A_899 = tpu.memref_slice %arg5[%mul3A_891, %dma_start3A_898] : memref<32768x128xf32, #tpu.memory_space<hbm>> -> memref<128x128xf32, #tpu.memory_space<hbm>>
    %dma_start3A_900 = tpu.memref_slice %arg10[%dma_start3A_893] : memref<7x!tpu.dma_semaphore, #tpu.memory_space<semaphore_mem>> -> memref<1x!tpu.dma_semaphore, #tpu.memory_space<semaphore_mem>>
    %dma_start3A_901 = tpu.memref_squeeze %dma_start3A_900 : memref<1x!tpu.dma_semaphore, #tpu.memory_space<semaphore_mem>> -> memref<!tpu.dma_semaphore, #tpu.memory_space<semaphore_mem>>
    %dma_start3A_902 = arith.constant 0 : i32
    %dma_start3A_903 = tpu.memref_slice %arg5[%mul3A_891, %dma_start3A_902] : memref<32768x128xf32, #tpu.memory_space<hbm>> -> memref<128x128xf32, #tpu.memory_space<hbm>>
    %dma_start3A_904 = arith.constant 0 : i32
    %dma_start3A_905 = arith.constant 0 : i32
    %dma_start3A_906 = tpu.memref_slice %arg8[%dma_start3A_892, %dma_start3A_904, %dma_start3A_905] : memref<7x128x128xf32, #tpu.memory_space<vmem>> -> memref<1x128x128xf32, #tpu.memory_space<vmem>>
    %dma_start3A_907 = tpu.memref_squeeze %dma_start3A_906 : memref<1x128x128xf32, #tpu.memory_space<vmem>> -> memref<128x128xf32, #tpu.memory_space<vmem>>
    tpu.enqueue_dma source(%dma_start3A_907 : memref<128x128xf32, #tpu.memory_space<vmem>>) target(%dma_start3A_903 : memref<128x128xf32, #tpu.memory_space<hbm>>) target_semaphore(%dma_start3A_901 : memref<!tpu.dma_semaphore, #tpu.memory_space<semaphore_mem>>)
    %dma_wait3A_908 = arith.constant 1 : i32
    %dma_wait3A_909 = arith.constant 1 : i32
    %dma_wait3A_910 = arith.constant 0 : i32
    %dma_wait3A_911 = arith.constant 0 : i32
    %dma_wait3A_912 = tpu.memref_slice %arg8[%dma_wait3A_908, %dma_wait3A_910, %dma_wait3A_911] : memref<7x128x128xf32, #tpu.memory_space<vmem>> -> memref<1x128x128xf32, #tpu.memory_space<vmem>>
    %dma_wait3A_913 = tpu.memref_squeeze %dma_wait3A_912 : memref<1x128x128xf32, #tpu.memory_space<vmem>> -> memref<128x128xf32, #tpu.memory_space<vmem>>
    %dma_wait3A_914 = arith.constant 896 : i32
    %dma_wait3A_915 = tpu.memref_slice %arg7[%dma_wait3A_914] : memref<1024xi32, #tpu.memory_space<vmem>> -> memref<128xi32, #tpu.memory_space<vmem>>
    %dma_wait3A_916 = arith.constant 0 : i32
    %dma_wait3A_917 = arith.constant 0 : i32
    %dma_wait3A_918 = tpu.memref_slice %arg3[%dma_wait3A_916, %dma_wait3A_917] : memref<8192x128xf32, #tpu.memory_space<hbm>> -> memref<8192x128xf32, #tpu.memory_space<hbm>>
    %dma_wait3A_919 = tpu.memref_slice %arg9[%dma_wait3A_909] : memref<7x!tpu.dma_semaphore, #tpu.memory_space<semaphore_mem>> -> memref<1x!tpu.dma_semaphore, #tpu.memory_space<semaphore_mem>>
    %dma_wait3A_920 = tpu.memref_squeeze %dma_wait3A_919 : memref<1x!tpu.dma_semaphore, #tpu.memory_space<semaphore_mem>> -> memref<!tpu.dma_semaphore, #tpu.memory_space<semaphore_mem>>
    tpu.wait_indirect_dma semaphore(%dma_wait3A_920 : memref<!tpu.dma_semaphore, #tpu.memory_space<semaphore_mem>>) src(%dma_wait3A_918 : memref<8192x128xf32, #tpu.memory_space<hbm>>) dst(%dma_wait3A_913 : memref<128x128xf32, #tpu.memory_space<vmem>>)
    %mul3A_921 = arith.constant 8 : i32
    %mul3A_922 = arith.muli %add3A, %mul3A_921 : i32
    %add3A_923 = arith.constant 7 : i32
    %add3A_924 = arith.addi %mul3A_922, %add3A_923 : i32
    %mul3A_925 = arith.constant 128 : i32
    %mul3A_926 = arith.muli %add3A_924, %mul3A_925 : i32
    %dma_start3A_927 = arith.constant 1 : i32
    %dma_start3A_928 = arith.constant 1 : i32
    %dma_start3A_929 = arith.constant 0 : i32
    %dma_start3A_930 = arith.constant 0 : i32
    %dma_start3A_931 = tpu.memref_slice %arg8[%dma_start3A_927, %dma_start3A_929, %dma_start3A_930] : memref<7x128x128xf32, #tpu.memory_space<vmem>> -> memref<1x128x128xf32, #tpu.memory_space<vmem>>
    %dma_start3A_932 = tpu.memref_squeeze %dma_start3A_931 : memref<1x128x128xf32, #tpu.memory_space<vmem>> -> memref<128x128xf32, #tpu.memory_space<vmem>>
    %dma_start3A_933 = arith.constant 0 : i32
    %dma_start3A_934 = tpu.memref_slice %arg6[%mul3A_926, %dma_start3A_933] : memref<32768x128xf32, #tpu.memory_space<hbm>> -> memref<128x128xf32, #tpu.memory_space<hbm>>
    %dma_start3A_935 = tpu.memref_slice %arg10[%dma_start3A_928] : memref<7x!tpu.dma_semaphore, #tpu.memory_space<semaphore_mem>> -> memref<1x!tpu.dma_semaphore, #tpu.memory_space<semaphore_mem>>
    %dma_start3A_936 = tpu.memref_squeeze %dma_start3A_935 : memref<1x!tpu.dma_semaphore, #tpu.memory_space<semaphore_mem>> -> memref<!tpu.dma_semaphore, #tpu.memory_space<semaphore_mem>>
    %dma_start3A_937 = arith.constant 0 : i32
    %dma_start3A_938 = tpu.memref_slice %arg6[%mul3A_926, %dma_start3A_937] : memref<32768x128xf32, #tpu.memory_space<hbm>> -> memref<128x128xf32, #tpu.memory_space<hbm>>
    %dma_start3A_939 = arith.constant 0 : i32
    %dma_start3A_940 = arith.constant 0 : i32
    %dma_start3A_941 = tpu.memref_slice %arg8[%dma_start3A_927, %dma_start3A_939, %dma_start3A_940] : memref<7x128x128xf32, #tpu.memory_space<vmem>> -> memref<1x128x128xf32, #tpu.memory_space<vmem>>
    %dma_start3A_942 = tpu.memref_squeeze %dma_start3A_941 : memref<1x128x128xf32, #tpu.memory_space<vmem>> -> memref<128x128xf32, #tpu.memory_space<vmem>>
    tpu.enqueue_dma source(%dma_start3A_942 : memref<128x128xf32, #tpu.memory_space<vmem>>) target(%dma_start3A_938 : memref<128x128xf32, #tpu.memory_space<hbm>>) target_semaphore(%dma_start3A_936 : memref<!tpu.dma_semaphore, #tpu.memory_space<semaphore_mem>>)
    %dma_wait3A_943 = arith.constant 2 : i32
    %dma_wait3A_944 = arith.constant 2 : i32
    %dma_wait3A_945 = arith.constant 0 : i32
    %dma_wait3A_946 = arith.constant 0 : i32
    %dma_wait3A_947 = tpu.memref_slice %arg8[%dma_wait3A_943, %dma_wait3A_945, %dma_wait3A_946] : memref<7x128x128xf32, #tpu.memory_space<vmem>> -> memref<1x128x128xf32, #tpu.memory_space<vmem>>
    %dma_wait3A_948 = tpu.memref_squeeze %dma_wait3A_947 : memref<1x128x128xf32, #tpu.memory_space<vmem>> -> memref<128x128xf32, #tpu.memory_space<vmem>>
    %dma_wait3A_949 = arith.constant 0 : i32
    %dma_wait3A_950 = tpu.memref_slice %arg6[%mul3A_716, %dma_wait3A_949] : memref<32768x128xf32, #tpu.memory_space<hbm>> -> memref<128x128xf32, #tpu.memory_space<hbm>>
    %dma_wait3A_951 = tpu.memref_slice %arg10[%dma_wait3A_944] : memref<7x!tpu.dma_semaphore, #tpu.memory_space<semaphore_mem>> -> memref<1x!tpu.dma_semaphore, #tpu.memory_space<semaphore_mem>>
    %dma_wait3A_952 = tpu.memref_squeeze %dma_wait3A_951 : memref<1x!tpu.dma_semaphore, #tpu.memory_space<semaphore_mem>> -> memref<!tpu.dma_semaphore, #tpu.memory_space<semaphore_mem>>
    %dma_wait3A_953 = arith.constant 0 : i32
    %dma_wait3A_954 = tpu.memref_slice %arg6[%mul3A_716, %dma_wait3A_953] : memref<32768x128xf32, #tpu.memory_space<hbm>> -> memref<128x128xf32, #tpu.memory_space<hbm>>
    %dma_wait3A_955 = arith.constant 0 : i32
    %dma_wait3A_956 = arith.constant 0 : i32
    %dma_wait3A_957 = tpu.memref_slice %arg8[%dma_wait3A_943, %dma_wait3A_955, %dma_wait3A_956] : memref<7x128x128xf32, #tpu.memory_space<vmem>> -> memref<1x128x128xf32, #tpu.memory_space<vmem>>
    %dma_wait3A_958 = tpu.memref_squeeze %dma_wait3A_957 : memref<1x128x128xf32, #tpu.memory_space<vmem>> -> memref<128x128xf32, #tpu.memory_space<vmem>>
    tpu.wait_dma2 semaphore(%dma_wait3A_952 : memref<!tpu.dma_semaphore, #tpu.memory_space<semaphore_mem>>) src(%dma_wait3A_958 : memref<128x128xf32, #tpu.memory_space<vmem>>) dst(%dma_wait3A_954 : memref<128x128xf32, #tpu.memory_space<hbm>>)
    %dma_wait3A_959 = arith.constant 3 : i32
    %dma_wait3A_960 = arith.constant 3 : i32
    %dma_wait3A_961 = arith.constant 0 : i32
    %dma_wait3A_962 = arith.constant 0 : i32
    %dma_wait3A_963 = tpu.memref_slice %arg8[%dma_wait3A_959, %dma_wait3A_961, %dma_wait3A_962] : memref<7x128x128xf32, #tpu.memory_space<vmem>> -> memref<1x128x128xf32, #tpu.memory_space<vmem>>
    %dma_wait3A_964 = tpu.memref_squeeze %dma_wait3A_963 : memref<1x128x128xf32, #tpu.memory_space<vmem>> -> memref<128x128xf32, #tpu.memory_space<vmem>>
    %dma_wait3A_965 = arith.constant 0 : i32
    %dma_wait3A_966 = tpu.memref_slice %arg5[%mul3A_751, %dma_wait3A_965] : memref<32768x128xf32, #tpu.memory_space<hbm>> -> memref<128x128xf32, #tpu.memory_space<hbm>>
    %dma_wait3A_967 = tpu.memref_slice %arg10[%dma_wait3A_960] : memref<7x!tpu.dma_semaphore, #tpu.memory_space<semaphore_mem>> -> memref<1x!tpu.dma_semaphore, #tpu.memory_space<semaphore_mem>>
    %dma_wait3A_968 = tpu.memref_squeeze %dma_wait3A_967 : memref<1x!tpu.dma_semaphore, #tpu.memory_space<semaphore_mem>> -> memref<!tpu.dma_semaphore, #tpu.memory_space<semaphore_mem>>
    %dma_wait3A_969 = arith.constant 0 : i32
    %dma_wait3A_970 = tpu.memref_slice %arg5[%mul3A_751, %dma_wait3A_969] : memref<32768x128xf32, #tpu.memory_space<hbm>> -> memref<128x128xf32, #tpu.memory_space<hbm>>
    %dma_wait3A_971 = arith.constant 0 : i32
    %dma_wait3A_972 = arith.constant 0 : i32
    %dma_wait3A_973 = tpu.memref_slice %arg8[%dma_wait3A_959, %dma_wait3A_971, %dma_wait3A_972] : memref<7x128x128xf32, #tpu.memory_space<vmem>> -> memref<1x128x128xf32, #tpu.memory_space<vmem>>
    %dma_wait3A_974 = tpu.memref_squeeze %dma_wait3A_973 : memref<1x128x128xf32, #tpu.memory_space<vmem>> -> memref<128x128xf32, #tpu.memory_space<vmem>>
    tpu.wait_dma2 semaphore(%dma_wait3A_968 : memref<!tpu.dma_semaphore, #tpu.memory_space<semaphore_mem>>) src(%dma_wait3A_974 : memref<128x128xf32, #tpu.memory_space<vmem>>) dst(%dma_wait3A_970 : memref<128x128xf32, #tpu.memory_space<hbm>>)
    %dma_wait3A_975 = arith.constant 4 : i32
    %dma_wait3A_976 = arith.constant 4 : i32
    %dma_wait3A_977 = arith.constant 0 : i32
    %dma_wait3A_978 = arith.constant 0 : i32
    %dma_wait3A_979 = tpu.memref_slice %arg8[%dma_wait3A_975, %dma_wait3A_977, %dma_wait3A_978] : memref<7x128x128xf32, #tpu.memory_space<vmem>> -> memref<1x128x128xf32, #tpu.memory_space<vmem>>
    %dma_wait3A_980 = tpu.memref_squeeze %dma_wait3A_979 : memref<1x128x128xf32, #tpu.memory_space<vmem>> -> memref<128x128xf32, #tpu.memory_space<vmem>>
    %dma_wait3A_981 = arith.constant 0 : i32
    %dma_wait3A_982 = tpu.memref_slice %arg6[%mul3A_786, %dma_wait3A_981] : memref<32768x128xf32, #tpu.memory_space<hbm>> -> memref<128x128xf32, #tpu.memory_space<hbm>>
    %dma_wait3A_983 = tpu.memref_slice %arg10[%dma_wait3A_976] : memref<7x!tpu.dma_semaphore, #tpu.memory_space<semaphore_mem>> -> memref<1x!tpu.dma_semaphore, #tpu.memory_space<semaphore_mem>>
    %dma_wait3A_984 = tpu.memref_squeeze %dma_wait3A_983 : memref<1x!tpu.dma_semaphore, #tpu.memory_space<semaphore_mem>> -> memref<!tpu.dma_semaphore, #tpu.memory_space<semaphore_mem>>
    %dma_wait3A_985 = arith.constant 0 : i32
    %dma_wait3A_986 = tpu.memref_slice %arg6[%mul3A_786, %dma_wait3A_985] : memref<32768x128xf32, #tpu.memory_space<hbm>> -> memref<128x128xf32, #tpu.memory_space<hbm>>
    %dma_wait3A_987 = arith.constant 0 : i32
    %dma_wait3A_988 = arith.constant 0 : i32
    %dma_wait3A_989 = tpu.memref_slice %arg8[%dma_wait3A_975, %dma_wait3A_987, %dma_wait3A_988] : memref<7x128x128xf32, #tpu.memory_space<vmem>> -> memref<1x128x128xf32, #tpu.memory_space<vmem>>
    %dma_wait3A_990 = tpu.memref_squeeze %dma_wait3A_989 : memref<1x128x128xf32, #tpu.memory_space<vmem>> -> memref<128x128xf32, #tpu.memory_space<vmem>>
    tpu.wait_dma2 semaphore(%dma_wait3A_984 : memref<!tpu.dma_semaphore, #tpu.memory_space<semaphore_mem>>) src(%dma_wait3A_990 : memref<128x128xf32, #tpu.memory_space<vmem>>) dst(%dma_wait3A_986 : memref<128x128xf32, #tpu.memory_space<hbm>>)
    %dma_wait3A_991 = arith.constant 5 : i32
    %dma_wait3A_992 = arith.constant 5 : i32
    %dma_wait3A_993 = arith.constant 0 : i32
    %dma_wait3A_994 = arith.constant 0 : i32
    %dma_wait3A_995 = tpu.memref_slice %arg8[%dma_wait3A_991, %dma_wait3A_993, %dma_wait3A_994] : memref<7x128x128xf32, #tpu.memory_space<vmem>> -> memref<1x128x128xf32, #tpu.memory_space<vmem>>
    %dma_wait3A_996 = tpu.memref_squeeze %dma_wait3A_995 : memref<1x128x128xf32, #tpu.memory_space<vmem>> -> memref<128x128xf32, #tpu.memory_space<vmem>>
    %dma_wait3A_997 = arith.constant 0 : i32
    %dma_wait3A_998 = tpu.memref_slice %arg5[%mul3A_821, %dma_wait3A_997] : memref<32768x128xf32, #tpu.memory_space<hbm>> -> memref<128x128xf32, #tpu.memory_space<hbm>>
    %dma_wait3A_999 = tpu.memref_slice %arg10[%dma_wait3A_992] : memref<7x!tpu.dma_semaphore, #tpu.memory_space<semaphore_mem>> -> memref<1x!tpu.dma_semaphore, #tpu.memory_space<semaphore_mem>>
    %dma_wait3A_1000 = tpu.memref_squeeze %dma_wait3A_999 : memref<1x!tpu.dma_semaphore, #tpu.memory_space<semaphore_mem>> -> memref<!tpu.dma_semaphore, #tpu.memory_space<semaphore_mem>>
    %dma_wait3A_1001 = arith.constant 0 : i32
    %dma_wait3A_1002 = tpu.memref_slice %arg5[%mul3A_821, %dma_wait3A_1001] : memref<32768x128xf32, #tpu.memory_space<hbm>> -> memref<128x128xf32, #tpu.memory_space<hbm>>
    %dma_wait3A_1003 = arith.constant 0 : i32
    %dma_wait3A_1004 = arith.constant 0 : i32
    %dma_wait3A_1005 = tpu.memref_slice %arg8[%dma_wait3A_991, %dma_wait3A_1003, %dma_wait3A_1004] : memref<7x128x128xf32, #tpu.memory_space<vmem>> -> memref<1x128x128xf32, #tpu.memory_space<vmem>>
    %dma_wait3A_1006 = tpu.memref_squeeze %dma_wait3A_1005 : memref<1x128x128xf32, #tpu.memory_space<vmem>> -> memref<128x128xf32, #tpu.memory_space<vmem>>
    tpu.wait_dma2 semaphore(%dma_wait3A_1000 : memref<!tpu.dma_semaphore, #tpu.memory_space<semaphore_mem>>) src(%dma_wait3A_1006 : memref<128x128xf32, #tpu.memory_space<vmem>>) dst(%dma_wait3A_1002 : memref<128x128xf32, #tpu.memory_space<hbm>>)
    %dma_wait3A_1007 = arith.constant 6 : i32
    %dma_wait3A_1008 = arith.constant 6 : i32
    %dma_wait3A_1009 = arith.constant 0 : i32
    %dma_wait3A_1010 = arith.constant 0 : i32
    %dma_wait3A_1011 = tpu.memref_slice %arg8[%dma_wait3A_1007, %dma_wait3A_1009, %dma_wait3A_1010] : memref<7x128x128xf32, #tpu.memory_space<vmem>> -> memref<1x128x128xf32, #tpu.memory_space<vmem>>
    %dma_wait3A_1012 = tpu.memref_squeeze %dma_wait3A_1011 : memref<1x128x128xf32, #tpu.memory_space<vmem>> -> memref<128x128xf32, #tpu.memory_space<vmem>>
    %dma_wait3A_1013 = arith.constant 0 : i32
    %dma_wait3A_1014 = tpu.memref_slice %arg6[%mul3A_856, %dma_wait3A_1013] : memref<32768x128xf32, #tpu.memory_space<hbm>> -> memref<128x128xf32, #tpu.memory_space<hbm>>
    %dma_wait3A_1015 = tpu.memref_slice %arg10[%dma_wait3A_1008] : memref<7x!tpu.dma_semaphore, #tpu.memory_space<semaphore_mem>> -> memref<1x!tpu.dma_semaphore, #tpu.memory_space<semaphore_mem>>
    %dma_wait3A_1016 = tpu.memref_squeeze %dma_wait3A_1015 : memref<1x!tpu.dma_semaphore, #tpu.memory_space<semaphore_mem>> -> memref<!tpu.dma_semaphore, #tpu.memory_space<semaphore_mem>>
    %dma_wait3A_1017 = arith.constant 0 : i32
    %dma_wait3A_1018 = tpu.memref_slice %arg6[%mul3A_856, %dma_wait3A_1017] : memref<32768x128xf32, #tpu.memory_space<hbm>> -> memref<128x128xf32, #tpu.memory_space<hbm>>
    %dma_wait3A_1019 = arith.constant 0 : i32
    %dma_wait3A_1020 = arith.constant 0 : i32
    %dma_wait3A_1021 = tpu.memref_slice %arg8[%dma_wait3A_1007, %dma_wait3A_1019, %dma_wait3A_1020] : memref<7x128x128xf32, #tpu.memory_space<vmem>> -> memref<1x128x128xf32, #tpu.memory_space<vmem>>
    %dma_wait3A_1022 = tpu.memref_squeeze %dma_wait3A_1021 : memref<1x128x128xf32, #tpu.memory_space<vmem>> -> memref<128x128xf32, #tpu.memory_space<vmem>>
    tpu.wait_dma2 semaphore(%dma_wait3A_1016 : memref<!tpu.dma_semaphore, #tpu.memory_space<semaphore_mem>>) src(%dma_wait3A_1022 : memref<128x128xf32, #tpu.memory_space<vmem>>) dst(%dma_wait3A_1018 : memref<128x128xf32, #tpu.memory_space<hbm>>)
    %dma_wait3A_1023 = arith.constant 0 : i32
    %dma_wait3A_1024 = arith.constant 0 : i32
    %dma_wait3A_1025 = arith.constant 0 : i32
    %dma_wait3A_1026 = arith.constant 0 : i32
    %dma_wait3A_1027 = tpu.memref_slice %arg8[%dma_wait3A_1023, %dma_wait3A_1025, %dma_wait3A_1026] : memref<7x128x128xf32, #tpu.memory_space<vmem>> -> memref<1x128x128xf32, #tpu.memory_space<vmem>>
    %dma_wait3A_1028 = tpu.memref_squeeze %dma_wait3A_1027 : memref<1x128x128xf32, #tpu.memory_space<vmem>> -> memref<128x128xf32, #tpu.memory_space<vmem>>
    %dma_wait3A_1029 = arith.constant 0 : i32
    %dma_wait3A_1030 = tpu.memref_slice %arg5[%mul3A_891, %dma_wait3A_1029] : memref<32768x128xf32, #tpu.memory_space<hbm>> -> memref<128x128xf32, #tpu.memory_space<hbm>>
    %dma_wait3A_1031 = tpu.memref_slice %arg10[%dma_wait3A_1024] : memref<7x!tpu.dma_semaphore, #tpu.memory_space<semaphore_mem>> -> memref<1x!tpu.dma_semaphore, #tpu.memory_space<semaphore_mem>>
    %dma_wait3A_1032 = tpu.memref_squeeze %dma_wait3A_1031 : memref<1x!tpu.dma_semaphore, #tpu.memory_space<semaphore_mem>> -> memref<!tpu.dma_semaphore, #tpu.memory_space<semaphore_mem>>
    %dma_wait3A_1033 = arith.constant 0 : i32
    %dma_wait3A_1034 = tpu.memref_slice %arg5[%mul3A_891, %dma_wait3A_1033] : memref<32768x128xf32, #tpu.memory_space<hbm>> -> memref<128x128xf32, #tpu.memory_space<hbm>>
    %dma_wait3A_1035 = arith.constant 0 : i32
    %dma_wait3A_1036 = arith.constant 0 : i32
    %dma_wait3A_1037 = tpu.memref_slice %arg8[%dma_wait3A_1023, %dma_wait3A_1035, %dma_wait3A_1036] : memref<7x128x128xf32, #tpu.memory_space<vmem>> -> memref<1x128x128xf32, #tpu.memory_space<vmem>>
    %dma_wait3A_1038 = tpu.memref_squeeze %dma_wait3A_1037 : memref<1x128x128xf32, #tpu.memory_space<vmem>> -> memref<128x128xf32, #tpu.memory_space<vmem>>
    tpu.wait_dma2 semaphore(%dma_wait3A_1032 : memref<!tpu.dma_semaphore, #tpu.memory_space<semaphore_mem>>) src(%dma_wait3A_1038 : memref<128x128xf32, #tpu.memory_space<vmem>>) dst(%dma_wait3A_1034 : memref<128x128xf32, #tpu.memory_space<hbm>>)
    %dma_wait3A_1039 = arith.constant 1 : i32
    %dma_wait3A_1040 = arith.constant 1 : i32
    %dma_wait3A_1041 = arith.constant 0 : i32
    %dma_wait3A_1042 = arith.constant 0 : i32
    %dma_wait3A_1043 = tpu.memref_slice %arg8[%dma_wait3A_1039, %dma_wait3A_1041, %dma_wait3A_1042] : memref<7x128x128xf32, #tpu.memory_space<vmem>> -> memref<1x128x128xf32, #tpu.memory_space<vmem>>
    %dma_wait3A_1044 = tpu.memref_squeeze %dma_wait3A_1043 : memref<1x128x128xf32, #tpu.memory_space<vmem>> -> memref<128x128xf32, #tpu.memory_space<vmem>>
    %dma_wait3A_1045 = arith.constant 0 : i32
    %dma_wait3A_1046 = tpu.memref_slice %arg6[%mul3A_926, %dma_wait3A_1045] : memref<32768x128xf32, #tpu.memory_space<hbm>> -> memref<128x128xf32, #tpu.memory_space<hbm>>
    %dma_wait3A_1047 = tpu.memref_slice %arg10[%dma_wait3A_1040] : memref<7x!tpu.dma_semaphore, #tpu.memory_space<semaphore_mem>> -> memref<1x!tpu.dma_semaphore, #tpu.memory_space<semaphore_mem>>
    %dma_wait3A_1048 = tpu.memref_squeeze %dma_wait3A_1047 : memref<1x!tpu.dma_semaphore, #tpu.memory_space<semaphore_mem>> -> memref<!tpu.dma_semaphore, #tpu.memory_space<semaphore_mem>>
    %dma_wait3A_1049 = arith.constant 0 : i32
    %dma_wait3A_1050 = tpu.memref_slice %arg6[%mul3A_926, %dma_wait3A_1049] : memref<32768x128xf32, #tpu.memory_space<hbm>> -> memref<128x128xf32, #tpu.memory_space<hbm>>
    %dma_wait3A_1051 = arith.constant 0 : i32
    %dma_wait3A_1052 = arith.constant 0 : i32
    %dma_wait3A_1053 = tpu.memref_slice %arg8[%dma_wait3A_1039, %dma_wait3A_1051, %dma_wait3A_1052] : memref<7x128x128xf32, #tpu.memory_space<vmem>> -> memref<1x128x128xf32, #tpu.memory_space<vmem>>
    %dma_wait3A_1054 = tpu.memref_squeeze %dma_wait3A_1053 : memref<1x128x128xf32, #tpu.memory_space<vmem>> -> memref<128x128xf32, #tpu.memory_space<vmem>>
    tpu.wait_dma2 semaphore(%dma_wait3A_1048 : memref<!tpu.dma_semaphore, #tpu.memory_space<semaphore_mem>>) src(%dma_wait3A_1054 : memref<128x128xf32, #tpu.memory_space<vmem>>) dst(%dma_wait3A_1050 : memref<128x128xf32, #tpu.memory_space<hbm>>)
    return
  }
}

</mosaic_0001>

<sc_bundles>
// kernel: kernel.3.cloned.1.call-start
scs
__scs_entry_jumppad:
0x0: {  	(pc) =	sbr.rel $0x88, $3  }
0x1: {  	(tag) =	ssettag $0x0;
	lr =	simm.s32 $0x1  }
0x2: {  	[smem:$0x3F9E] =	sst lr;
	_ =	strace $0xD0000000  }
0x3: {  	_ = 	snop  }
0x4: {  	_ = 	snop  }
0x5: {  	_ = 	snop  }
0x6: {  	_ = 	snop  }
0x7: {  	_ = 	snop  }
__scs_overlays_trampoline_lowered:
0x8: {  	[smem:$0x3FAD] =	sst s0  }
0x9: {  	[smem:$0x3FAE] =	sst s1  }
0xa: {  	[smem:$0x3FAF] =	sst s2  }
0xb: {  	[smem:$0x3FB0] =	sst s3  }
0xc: {  	[smem:$0x3FB1] =	sst s4  }
0xd: {  	[smem:$0x3FB2] =	sst s5  }
0xe: {  	[smem:$0x3FB3] =	sst s6  }
0xf: {  	[smem:$0x3FB4] =	sst s7  }
0x10: {  	[smem:$0x3FB5] =	sst s8  }
0x11: {  	[smem:$0x3FB6] =	sst s9;
	s0 =	simm.s32 @!p0 $0x0  }
0x12: {  	s1 =	sld [smem:$0x3F9C];
	s0 =	simm.s32 @p0 $0x1  }
0x13: {  	[smem:$0x3FB7] =	sst s0;
	s0 =	simm.s32 @!p1 $0x0  }
0x14: {  	s2 =	sld [smem:$0x3F9B];
	s0 =	simm.s32 @p1 $0x1  }
0x15: {  	[smem:$0x3FB8] =	sst s0;
	s0 =	simm.s32 @!p2 $0x0  }
0x16: {  	s3 =	sld [smem:$0x3FDB];
	s0 =	simm.s32 @p2 $0x1  }
0x17: {  	s4 =	simm.s32 $0x1BF5;
	[smem:$0x3FBA] =	sst s0  }
0x18: {  	s0 =	sld [smem:$0x3F9D];
	_ =	swait.ge [sflag:s4], $0x0  }
0x19: {  	s7 =	sld [smem:$0x3F9E]  }
0x1a: {  	s8 =	sadd.s32 $0xFFFFE003, lr  }
0x1b: {  	s9 =	sadd.s32 $0xFFFFFEF7, lr;
	s5 =	simm.s32 $0xFFFFFFFF;
	p2 =	slt.u32 s8, $0xFFFFF086  }
0x1c: {  	p1 =	slt.u32 s9, $0xF7A;
	s5 =	simm.s32 @!p2 $0x0  }
0x1d: {  	s5 =	simm.s32 @p1 $0x1;
	p0 =	seq.s32 s7, s2  }
0x1e: {  	s7 =	smul.u32 @!p0 $0xF7A, s2;
	p2 =	seq.s32 @!p0 s5, $0x0  }
0x1f: {  	s9 =	smul.u32 $0xF7A, s1;
	s8 =	simm.s32 @!p0 $0x1BF5;
	p2 =	por !p2, p0  }
0x20: {  	[sflag:s8] =	ssyncset.s32 @!p0 $0xFFFFF086;
	s6 =	sadd.s32 @!p0 s3, s7;
	s7 =	simm.s32 @!p0 $0x108  }
0x21: {  	s3 =	sadd.s32 s3, s9;
	s6 =	sadd.s32 @!p0 $0x88, s6;
	s7 =	simm.s32 @p2 $0x1082  }
0x22: {  	[simem:s7], [sflag:s8] =	dma.local @!p0 [hbm:s6], $0xF7A  }
0x23: {  	s9 =	sor.u32 $0xD0000000, s2;
	s6 =	simm.s32 $0x108;
	_ =	swait.ge @!p0 [sflag:s8], $0x0  }
0x24: {  	s3 =	sadd.s32 $0x88, s3;
	s6 =	simm.s32 @!p1 $0x1082;
	[sflag:s4] =	ssyncset.s32 $0xFFFFF086  }
0x25: {  	[simem:s6], [sflag:s4] =	dma.local [hbm:s3], $0xF7A  }
0x26: {  	[smem:$0x3F9E] =	sst s1;
	(tag) =	ssettag s2;
	_ =	strace s9  }
0x27: {  	s1 =	sld [smem:$0x3FAE]  }
0x28: {  	s2 =	sld [smem:$0x3FAF]  }
0x29: {  	s4 =	sld [smem:$0x3FB1]  }
0x2a: {  	p0 =	seq.s32 s5, $0x0;
	s5 =	sld [smem:$0x3FB2]  }
0x2b: {  	s6 =	sld [smem:$0x3FB3]  }
0x2c: {  	s7 =	sld [smem:$0x3FB4]  }
0x2d: {  	s3 =	simm.s32 $0x108;
	s8 =	sld [smem:$0x3FB5]  }
0x2e: {  	s3 =	simm.s32 @!p0 $0x1082;
	s9 =	sld [smem:$0x3FB6]  }
0x2f: {  	lr =	sadd.s32 s0, s3;
	s0 =	sld [smem:$0x3FAD]  }
0x30: {  	s3 =	sld [smem:$0x3FB0]  }
0x31: {  	[smem:$0x3FB9] =	sst s10  }
0x32: {  	s10 =	sld [smem:$0x3FB7];
	_ =	sdelay $0x3  }
0x33: {  	p0 =	seq.s32 s10, $0x1;
	s10 =	sld [smem:$0x3FB9];
	_ =	sdelay $0x3  }
0x34: {  	[smem:$0x3FB9] =	sst s10  }
0x35: {  	s10 =	sld [smem:$0x3FB8];
	_ =	sdelay $0x3  }
0x36: {  	p1 =	seq.s32 s10, $0x1;
	s10 =	sld [smem:$0x3FB9];
	_ =	sdelay $0x3  }
0x37: {  	[smem:$0x3FB9] =	sst s10  }
0x38: {  	s10 =	sld [smem:$0x3FBA]  }
0x39: {  	_ = 	snop;
	(pc) =	sbr.ind lr, $3  }
0x3a: {  	_ = 	snop  }
0x3b: {  	_ = 	snop  }
0x3c: {  	p2 =	seq.s32 s10, $0x1;
	s10 =	sld [smem:$0x3FB9]  }
0x3d: {  	_ =	shalt  }
0x3e: {  	_ =	shalt  }
0x3f: {  	_ =	shalt  }
0x40: {  	_ =	shalt  }
0x41: {  	_ =	shalt  }
0x42: {  	_ =	shalt  }
0x43: {  	_ =	shalt  }
0x44: {  	_ =	shalt  }
0x45: {  	_ =	shalt  }
0x46: {  	_ =	shalt  }
0x47: {  	_ =	shalt  }
0x48: {  	_ =	shalt  }
0x49: {  	_ =	shalt  }
0x4a: {  	_ =	shalt  }
0x4b: {  	_ =	shalt  }
0x4c: {  	_ =	shalt  }
0x4d: {  	_ =	shalt  }
0x4e: {  	_ =	shalt  }
0x4f: {  	_ =	shalt  }
0x50: {  	_ =	shalt  }
0x51: {  	_ =	shalt  }
0x52: {  	_ =	shalt  }
0x53: {  	_ =	shalt  }
0x54: {  	_ =	shalt  }
0x55: {  	_ =	shalt  }
0x56: {  	_ =	shalt  }
0x57: {  	_ =	shalt  }
0x58: {  	_ =	shalt  }
0x59: {  	_ =	shalt  }
0x5a: {  	_ =	shalt  }
0x5b: {  	_ =	shalt  }
0x5c: {  	_ =	shalt  }
0x5d: {  	_ =	shalt  }
0x5e: {  	_ =	shalt  }
0x5f: {  	_ =	shalt  }
0x60: {  	_ =	shalt  }
0x61: {  	_ =	shalt  }
0x62: {  	_ =	shalt  }
0x63: {  	_ =	shalt  }
0x64: {  	_ =	shalt  }
0x65: {  	_ =	shalt  }
0x66: {  	_ =	shalt  }
0x67: {  	_ =	shalt  }
0x68: {  	_ =	shalt  }
0x69: {  	_ =	shalt  }
0x6a: {  	_ =	shalt  }
0x6b: {  	_ =	shalt  }
0x6c: {  	_ =	shalt  }
0x6d: {  	_ =	shalt  }
0x6e: {  	_ =	shalt  }
0x6f: {  	_ =	shalt  }
0x70: {  	_ =	shalt  }
0x71: {  	_ =	shalt  }
0x72: {  	_ =	shalt  }
0x73: {  	_ =	shalt  }
0x74: {  	_ =	shalt  }
0x75: {  	_ =	shalt  }
0x76: {  	_ =	shalt  }
0x77: {  	_ =	shalt  }
0x78: {  	_ =	shalt  }
0x79: {  	_ =	shalt  }
0x7a: {  	_ =	shalt  }
0x7b: {  	_ =	shalt  }
0x7c: {  	_ =	shalt  }
0x7d: {  	_ =	shalt  }
0x7e: {  	_ =	shalt  }
0x7f: {  	_ =	shalt  }
0x80: {  	_ =	shalt  }
0x81: {  	_ =	shalt  }
0x82: {  	_ =	shalt  }
0x83: {  	_ =	shalt  }
0x84: {  	_ =	shalt  }
0x85: {  	_ =	shalt  }
0x86: {  	_ =	shalt  }
0x87: {  	_ =	shalt  }
.Lfunc_end0:
.L_simem_size_0:
called_computation_lowered:
.L_overlay_start_0:
0x88: {  	s2 =	sld [smem:$0x3FD9]  }
0x89: {  	s3 =	sld [smem:$0x3FFE];
	_ =	sdelay $0x1  }
0x8a: {  	s1 =	srdreg.scid  }
0x8b: {  	s0 =	sand.u32 $0x1, s1  }
0x8c: {  	s15 =	sshll.u32 s0, $0xA;
	s2 =	sadd.s32 s3, s2  }
0x8d: {  	s2 =	sadd.s32 s2, s15  }
0x8e: {  	[smem:$0x3FC5] =	sst s2  }
0x8f: {  	_ = 	snop  }
0x90: {  	s2 =	sld [smem:$0x3FD0]  }
0x91: {  	s16 =	sld [smem:$0x3FC9]  }
0x92: {  	s4 =	sld [smem:$0x3FC8]  }
0x93: {  	s6 =	simm.s32 $0xA;
	s7 =	simm.s32 $0x10;
	s5 =	sld [smem:$0x3FC7]  }
0x94: {  	[smem:s7], [sflag:s6] =	dma.local [hbm:s2], $0x1  }
0x95: {  	_ =	swait.eq [sflag:s6], $0x1  }
0x96: {  	[sflag:s6] =	ssyncset.done $0x0  }
0x97: {  	s17 =	sld [smem:$0x10];
	[sflag:s6] =	ssyncadd.s32 $0xFFFFFFFF  }
0x98: {  	s18 =	sld [smem:$0x11];
	(tm) =	ssettm $0x1  }
0x99: {  	s19 =	sld [smem:$0x3FFB];
	_ =	sdelay $0x3  }
0x9a: {  	_ =	strace s19  }
0x9b: {  	s7 =	sld [smem:$0x3FFC];
	_ =	sdelay $0x3  }
0x9c: {  	_ =	strace s7  }
0x9d: {  	s7 =	sld [smem:$0x3FFD];
	_ =	sdelay $0x3  }
0x9e: {  	_ =	strace s7  }
0x9f: {  	_ =	strace $0x8FFFFFFF  }
0xa0: {  	s20 =	sld [smem:$0x3FDB];
	_ =	sdelay $0x1  }
0xa1: {  	s8 =	simm.s32 $_scs_section_size  }
0xa2: {  	s9 =	simm.s32 $_size__tile_overlayer_lowered;
	s10 =	simm.s32 $_tile_overlayer_lowered  }
0xa3: {  	s23 =	simm.s32 $0x1BFF;
	s22 =	sshll.u32 s10, $0x1;
	s7 =	sadd.s32 s8, s20  }
0xa4: {  	s11 =	simm.s32 $0x0;
	s21 =	sshll.u32 s9, $0x1;
	s9 =	sadd.s32 s22, s7  }
0xa5: {  	[timem:s11], [sflag:s23] =	dma.local [hbm:s9], s21  }
0xa6: {  	_ =	swait.ge [sflag:s23], s21  }
0xa7: {  	s8 =	ssub.s32 $0x0, s21;
	[sflag:s23] =	ssyncset.done $0x0  }
0xa8: {  	[sflag:s23] =	ssyncadd.s32 s8;
	_ =	sdelay $0x1  }
0xa9: {  	s24 =	simm.s32 $0x1B8B  }
0xaa: {  	_ =	swait.ge [sflag:s24], $0x1  }
0xab: {  	[sflag:s24] =	ssyncset.done $0x0  }
0xac: {  	s25 =	simm.s32 $0x1B8E;
	[sflag:s24] =	ssyncadd.s32 $0xFFFFFFFF  }
0xad: {  	s26 =	simm.s32 $execute0_lowered;
	[smem:$0x3FD2] =	sst s25  }
0xae: {  	s8 =	sshll.u32 s26, $0x1;
	_ =	strace $0x80000046;
	[dreg:$0x1] =	wrdreg $0xFFFFFFFF  }
0xaf: {  	s28 =	simm.s32 $_size_execute0_lowered;
	s7 =	sadd.s32 s7, s8;
	[dreg:$0x0] =	wrdreg $0x0  }
0xb0: {  	s8 =	sshll.u32 s28, $0x1;
	[dreg:$0x2] =	wrdreg s7  }
0xb1: {  	[dreg:$0x3] =	wrdreg s8  }
0xb2: {  	[dreg:$0x4] =	wrdreg $0xC0  }
0xb3: {  	_ =	task [dreg:s11], $0x5FFFF  }
0xb4: {  	[dreg:$0x1] =	wrdreg $0xFFFFFFFF  }
0xb5: {  	[dreg:$0x0] =	wrdreg $0x60  }
0xb6: {  	[dreg:$0x2] =	wrdreg s4  }
0xb7: {  	[dreg:$0x3] =	wrdreg s5  }
0xb8: {  	[dreg:$0x4] =	wrdreg s16  }
0xb9: {  	[dreg:$0x5] =	wrdreg s17  }
0xba: {  	[dreg:$0x6] =	wrdreg s18  }
0xbb: {  	[dreg:$0x7] =	wrdreg $0x9  }
0xbc: {  	_ =	task.clear_ibuf [dreg:s11], $0x8FFFF;
	_ =	strace $0x90000046  }
0xbd: {  	s29 =	simm.s32 $0x9;
	_ =	strace $0x80000048  }
0xbe: {  	_ =	swait.ge [sflag:s29], $0x1  }
0xbf: {  	[sflag:s29] =	ssyncadd.s32 $0xFFFFFFFF  }
0xc0: {  	_ =	strace $0x90000048  }
0xc1: {  	_ =	sfence  }
0xc2: {  	s30 =	sld [smem:$0x0];
	_ =	sdelay $0x2  }
0xc3: {  	s31 =	sshll.u32 s1, $0xD;
	s1 =	sshrl.u32 s1, $0x2  }
0xc4: {  	s3 =	sand.u32 $0x4000, s31;
	s1 =	sadd.s32 s1, s30  }
0xc5: {  	s0 =	sor.u32 s3, s0;
	s1 =	sshll.u32 s1, $0x11  }
0xc6: {  	s0 =	sor.u32 s1, s0  }
0xc7: {  	s0 =	sadd.s32 $0x8F2B, s0  }
0xc8: {  	[sflag:s0] =	ssyncadd.remote.s32 $0x1  }
0xc9: {  	_ =	sfence.sel $0xFFFF  }
0xca: {  	[dreg:$0x0] =	wrdreg $0xFFFFFFFF;
	(pc) =	sbr.abs _section_cstart, $3  }
0xcb: {  	[dreg:$0x1] =	wrdreg $0xFFFFFFFF  }
0xcc: {  	_ =	task.clear_ibuf [dreg:s11], $0x2FFFF;
	_ =	strace $0x9FFFFFFF  }
0xcd: {  	(tm) =	ssettm $0x7FFFFFFF  }
tec
execute0_lowered:
.L_overlay_start_1:
0x0: {  	(tag) =	ssettag $0x1  }
0x1: {  	s4 =	rddreg [dreg:$0x0]  }
0x2: {  	s3 =	rddreg [dreg:$0x1]  }
0x3: {  	s0 =	rddreg [dreg:$0x2]  }
0x4: {  	s1 =	rddreg [dreg:$0x3];
	s2 =	srdreg.scid  }
0x5: {  	s8 =	stileid.u32;
	s5 =	rddreg [dreg:$0x4]  }
0x6: {  	s30 =	simm.s32 $0x200;
	s28 =	simm.s32 $0xF;
	p0 =	por $0x0, $0x0  }
0x7: {  	s6 =	sand.u32 $0x1, s2;
	s23 =	sshll.u32 s8, $0x1;
	s8 =	sshll.u32 s8, $0x2  }
0x8: {  	s2 =	simm.s32 $0x0;
	s7 =	sor.u32 s6, s23;
	s8 =	sand.u32 $0x30, s8  }
0x9: {  	[smem:$0x7FF] =	sst s2;
	s6 =	ssub.s32 $0x2, s6;
	s9 =	sshll.u32 s7, $0x9  }
0xa: {  	s0 =	sadd.s32 s0, s8;
	_ =	strace $0x80000047;
	s7 =	sshll.u32 s7, $0xE  }
0xb: {  	s9 =	sand.u32 $0xE00, s9;
	s24 =	sadd.s32 s1, s7;
	s25 =	sadd.s32 s5, s7  }
0xc: {  	s26 =	sor.u32 $0x800, s7;
	s12 =	sor.u32 $0x1800, s7;
	[dreg:$0x7] =	wrdreg s24  }
0xd: {  	s15 =	sor.u32 $0x2000, s7;
	s0 =	sadd.s32 s9, s0;
	[dreg:$0x8] =	wrdreg s25  }
0xe: {  	s18 =	sor.u32 $0x2800, s7;
	s29 =	sadd.s32 s1, s26;
	[dreg:$0x6] =	wrdreg s0  }
0xf: {  	s21 =	sor.u32 $0x3000, s7;
	s8 =	sadd.s32 s5, s26;
	[dreg:$0x9] =	wrdreg s29  }
0x10: {  	s9 =	sor.u32 $0x1000, s7;
	s13 =	sadd.s32 s1, s12;
	[dreg:$0xa] =	wrdreg s8  }
0x11: {  	s14 =	sadd.s32 s5, s12;
	s16 =	sadd.s32 s1, s15;
	[dreg:$0xd] =	wrdreg s13  }
0x12: {  	s17 =	sadd.s32 s5, s15;
	s19 =	sadd.s32 s1, s18;
	[dreg:$0xe] =	wrdreg s14  }
0x13: {  	s20 =	sadd.s32 s5, s18;
	s22 =	sadd.s32 s1, s21;
	[dreg:$0xf] =	wrdreg s16  }
0x14: {  	s23 =	sadd.s32 s5, s21;
	s7 =	sor.u32 $0x3800, s7;
	[dreg:$0x10] =	wrdreg s17  }
0x15: {  	s24 =	sshrl.u32 s6, $0x1;
	s21 =	simm.s32 $0x8400;
	[dreg:$0x11] =	wrdreg s19  }
0x16: {  	s18 =	simm.s32 $0x10400;
	s15 =	simm.s32 $0x1;
	[dreg:$0x12] =	wrdreg s20  }
0x17: {  	s10 =	sadd.s32 s1, s9;
	s11 =	sadd.s32 s5, s9;
	[dreg:$0x13] =	wrdreg s22  }
0x18: {  	[dreg:$0x14] =	wrdreg s23;
	s25 =	sadd.s32 s1, s7;
	s26 =	ssub.s32 s6, s24  }
0x19: {  	s29 =	sadd.s32 s5, s7;
	s20 =	simm.s32 $0x80;
	s8 =	simm.s32 $0x400  }
0x1a: {  	s7 =	simm.s32 $0x4400;
	s19 =	simm.s32 $0xC400;
	s17 =	simm.s32 $0x14400  }
0x1b: {  	s16 =	simm.s32 $0x18400;
	s6 =	simm.s32 $0x8;
	s5 =	simm.s32 $0x9  }
0x1c: {  	s24 =	simm.s32 $0x4;
	s9 =	simm.s32 $0xB;
	s12 =	smax.u32 s26, $0x1  }
0x1d: {  	s14 =	simm.s32 $0xC;
	[dreg:$0xb] =	wrdreg s10;
	p1 =	sne.s32 s12, $0x1  }
.Ltmp0:
0x1e: {  	s23 =	simm.s32 $0x6;
	[dreg:$0xc] =	wrdreg s11;
	(pc) =	sbr.rel @!p1 .LBB2_3-.Ltmp0, $4  }
0x1f: {  	s22 =	simm.s32 $0x7;
	s13 =	simm.s32 $0xE;
	[dreg:$0x15] =	wrdreg s25  }
0x20: {  	s1 =	simm.s32 $0x380;
	[dreg:$0x16] =	wrdreg s29;
	s11 =	simm.s32 $0x2  }
0x21: {  	s26 =	simm.s32 $0x3;
	s10 =	simm.s32 $0xA;
	s25 =	simm.s32 $0x5  }
0x22: {  	s31 =	rddreg [dreg:$0x6];
	s0 =	sadd.s32 $0xFFFFFFFF, s12;
	s12 =	simm.s32 $0xD  }
0x23: {  	[tilespmem:s2], [sflag:$0xF] =	stream.strided.gather [hbm4b:s31+s20], $0x400, s30, s20, $0x38;
	[tilespmem:$0x1C400] =	vst v63  }
0x24: {  	_ =	swait.ge [sflag:s28], $0x400  }
0x25: {  	[sflag:s28] =	ssyncset.done $0x0  }
0x26: {  	[sflag:s28] =	ssyncadd.s32 $0xFFFFFC00  }
0x27: {  	[tilespmem:s8], [sflag:$0x1] =	stream.indirect.gather [hbm4b:s4+s20], $0x80, s2, s20, $0xb8;
	[tilespmem:$0x1C400] =	vst v63  }
0x28: {  	_ = 	snop  }
0x29: {  	[tilespmem:s7], [sflag:$0x2] =	stream.indirect.gather [hbm4b:s3+s20], $0x80, s2, s20, $0xb8;
	[tilespmem:$0x1C400] =	vst v63  }
0x2a: {  	_ = 	snop  }
0x2b: {  	[tilespmem:s21], [sflag:$0x3] =	stream.indirect.gather [hbm4b:s4+s20], $0x80, s20, s20, $0xb8;
	[tilespmem:$0x1C400] =	vst v63  }
0x2c: {  	_ = 	snop  }
0x2d: {  	[tilespmem:s19], [sflag:$0x4] =	stream.indirect.gather [hbm4b:s3+s20], $0x80, s20, s20, $0xb8;
	[tilespmem:$0x1C400] =	vst v63  }
0x2e: {  	s31 =	simm.s32 $0x100  }
0x2f: {  	[tilespmem:s18], [sflag:$0x5] =	stream.indirect.gather [hbm4b:s4+s20], $0x80, s31, s20, $0xb8;
	[tilespmem:$0x1C400] =	vst v63  }
0x30: {  	_ = 	snop  }
0x31: {  	[tilespmem:s17], [sflag:$0x6] =	stream.indirect.gather [hbm4b:s3+s20], $0x80, s31, s20, $0xb8;
	[tilespmem:$0x1C400] =	vst v63  }
0x32: {  	s29 =	simm.s32 $0x180  }
0x33: {  	[tilespmem:s16], [sflag:$0x7] =	stream.indirect.gather [hbm4b:s4+s20], $0x80, s29, s20, $0xb8;
	[tilespmem:$0x1C400] =	vst v63  }
0x34: {  	_ =	swait.ge [sflag:s15], $0x4000  }
0x35: {  	[sflag:s15] =	ssyncset.done $0x0  }
0x36: {  	s31 =	rddreg [dreg:$0x7];
	[sflag:s15] =	ssyncadd.s32 $0xFFFFC000  }
0x37: {  	[hbm4b:s31+s2] =	stream.linear.scatter [tilespmem:s8], [sflag:$0x8], $0x4000, $0x38;
	[tilespmem:$0x1C400] =	vst v63  }
0x38: {  	_ =	swait.ge [sflag:s6], $0x4000  }
0x39: {  	[sflag:s6] =	ssyncset.done $0x0  }
0x3a: {  	[sflag:s6] =	ssyncadd.s32 $0xFFFFC000  }
0x3b: {  	[tilespmem:s8], [sflag:$0x1] =	stream.indirect.gather [hbm4b:s3+s20], $0x80, s29, s20, $0xb8;
	[tilespmem:$0x1C400] =	vst v63  }
0x3c: {  	_ =	swait.ge [sflag:s11], $0x4000  }
0x3d: {  	[sflag:s11] =	ssyncset.done $0x0  }
0x3e: {  	s31 =	rddreg [dreg:$0x8];
	[sflag:s11] =	ssyncadd.s32 $0xFFFFC000  }
0x3f: {  	[hbm4b:s31+s2] =	stream.linear.scatter [tilespmem:s7], [sflag:$0x9], $0x4000, $0x38;
	[tilespmem:$0x1C400] =	vst v63  }
0x40: {  	_ =	swait.ge [sflag:s5], $0x4000  }
0x41: {  	[sflag:s5] =	ssyncset.done $0x0  }
0x42: {  	[sflag:s5] =	ssyncadd.s32 $0xFFFFC000  }
0x43: {  	[tilespmem:s7], [sflag:$0x2] =	stream.indirect.gather [hbm4b:s4+s20], $0x80, s30, s20, $0xb8;
	[tilespmem:$0x1C400] =	vst v63  }
0x44: {  	_ =	swait.ge [sflag:s26], $0x4000  }
0x45: {  	[sflag:s26] =	ssyncset.done $0x0  }
0x46: {  	s31 =	rddreg [dreg:$0x9];
	[sflag:s26] =	ssyncadd.s32 $0xFFFFC000  }
0x47: {  	[hbm4b:s31+s2] =	stream.linear.scatter [tilespmem:s21], [sflag:$0xA], $0x4000, $0x38;
	[tilespmem:$0x1C400] =	vst v63  }
0x48: {  	_ =	swait.ge [sflag:s10], $0x4000  }
0x49: {  	[sflag:s10] =	ssyncset.done $0x0  }
0x4a: {  	[sflag:s10] =	ssyncadd.s32 $0xFFFFC000  }
0x4b: {  	[tilespmem:s21], [sflag:$0x3] =	stream.indirect.gather [hbm4b:s3+s20], $0x80, s30, s20, $0xb8;
	[tilespmem:$0x1C400] =	vst v63  }
0x4c: {  	_ =	swait.ge [sflag:s24], $0x4000  }
0x4d: {  	[sflag:s24] =	ssyncset.done $0x0  }
0x4e: {  	s31 =	rddreg [dreg:$0xa];
	[sflag:s24] =	ssyncadd.s32 $0xFFFFC000  }
0x4f: {  	[hbm4b:s31+s2] =	stream.linear.scatter [tilespmem:s19], [sflag:$0xB], $0x4000, $0x38;
	[tilespmem:$0x1C400] =	vst v63  }
0x50: {  	_ =	swait.ge [sflag:s9], $0x4000  }
0x51: {  	[sflag:s9] =	ssyncset.done $0x0  }
0x52: {  	s29 =	smov.u32 s0;
	s0 =	simm.s32 $0x280;
	[sflag:s9] =	ssyncadd.s32 $0xFFFFC000  }
0x53: {  	[tilespmem:s19], [sflag:$0x4] =	stream.indirect.gather [hbm4b:s4+s20], $0x80, s0, s20, $0xb8;
	[tilespmem:$0x1C400] =	vst v63  }
0x54: {  	_ =	swait.ge [sflag:s25], $0x4000  }
0x55: {  	[sflag:s25] =	ssyncset.done $0x0  }
0x56: {  	s31 =	rddreg [dreg:$0xb];
	[sflag:s25] =	ssyncadd.s32 $0xFFFFC000  }
0x57: {  	[hbm4b:s31+s2] =	stream.linear.scatter [tilespmem:s18], [sflag:$0xC], $0x4000, $0x38;
	[tilespmem:$0x1C400] =	vst v63  }
0x58: {  	_ =	swait.ge [sflag:s14], $0x4000  }
0x59: {  	[sflag:s14] =	ssyncset.done $0x0  }
0x5a: {  	[sflag:s14] =	ssyncadd.s32 $0xFFFFC000  }
0x5b: {  	[tilespmem:s18], [sflag:$0x5] =	stream.indirect.gather [hbm4b:s3+s20], $0x80, s0, s20, $0xb8;
	[tilespmem:$0x1C400] =	vst v63  }
0x5c: {  	_ =	swait.ge [sflag:s23], $0x4000  }
0x5d: {  	[sflag:s23] =	ssyncset.done $0x0  }
0x5e: {  	s31 =	rddreg [dreg:$0xc];
	[sflag:s23] =	ssyncadd.s32 $0xFFFFC000  }
0x5f: {  	[hbm4b:s31+s2] =	stream.linear.scatter [tilespmem:s17], [sflag:$0xD], $0x4000, $0x38;
	[tilespmem:$0x1C400] =	vst v63  }
0x60: {  	_ =	swait.ge [sflag:s12], $0x4000  }
0x61: {  	[sflag:s12] =	ssyncset.done $0x0  }
0x62: {  	s0 =	simm.s32 $0x300;
	[sflag:s12] =	ssyncadd.s32 $0xFFFFC000  }
0x63: {  	[tilespmem:s17], [sflag:$0x6] =	stream.indirect.gather [hbm4b:s4+s20], $0x80, s0, s20, $0xb8;
	[tilespmem:$0x1C400] =	vst v63  }
0x64: {  	_ =	swait.ge [sflag:s22], $0x4000  }
0x65: {  	[sflag:s22] =	ssyncset.done $0x0  }
0x66: {  	s31 =	rddreg [dreg:$0xd];
	[sflag:s22] =	ssyncadd.s32 $0xFFFFC000  }
0x67: {  	[hbm4b:s31+s2] =	stream.linear.scatter [tilespmem:s16], [sflag:$0xE], $0x4000, $0x38;
	[tilespmem:$0x1C400] =	vst v63  }
0x68: {  	_ =	swait.ge [sflag:s13], $0x4000  }
0x69: {  	[sflag:s13] =	ssyncset.done $0x0  }
0x6a: {  	[sflag:s13] =	ssyncadd.s32 $0xFFFFC000  }
0x6b: {  	[tilespmem:s16], [sflag:$0x7] =	stream.indirect.gather [hbm4b:s3+s20], $0x80, s0, s20, $0xb8;
	[tilespmem:$0x1C400] =	vst v63  }
0x6c: {  	_ =	swait.ge [sflag:s15], $0x4000  }
0x6d: {  	[sflag:s15] =	ssyncset.done $0x0  }
0x6e: {  	s31 =	rddreg [dreg:$0xe];
	[sflag:s15] =	ssyncadd.s32 $0xFFFFC000  }
0x6f: {  	[hbm4b:s31+s2] =	stream.linear.scatter [tilespmem:s8], [sflag:$0x8], $0x4000, $0x38;
	[tilespmem:$0x1C400] =	vst v63  }
0x70: {  	_ =	swait.ge [sflag:s6], $0x4000  }
0x71: {  	[sflag:s6] =	ssyncset.done $0x0  }
0x72: {  	[sflag:s6] =	ssyncadd.s32 $0xFFFFC000  }
0x73: {  	[tilespmem:s8], [sflag:$0x1] =	stream.indirect.gather [hbm4b:s4+s20], $0x80, s1, s20, $0xb8;
	[tilespmem:$0x1C400] =	vst v63  }
0x74: {  	_ =	swait.ge [sflag:s11], $0x4000  }
0x75: {  	[sflag:s11] =	ssyncset.done $0x0  }
0x76: {  	s31 =	rddreg [dreg:$0xf];
	[sflag:s11] =	ssyncadd.s32 $0xFFFFC000  }
0x77: {  	[hbm4b:s31+s2] =	stream.linear.scatter [tilespmem:s7], [sflag:$0x9], $0x4000, $0x38;
	[tilespmem:$0x1C400] =	vst v63  }
0x78: {  	_ =	swait.ge [sflag:s5], $0x4000  }
0x79: {  	[sflag:s5] =	ssyncset.done $0x0  }
0x7a: {  	[sflag:s5] =	ssyncadd.s32 $0xFFFFC000  }
0x7b: {  	[tilespmem:s7], [sflag:$0x2] =	stream.indirect.gather [hbm4b:s3+s20], $0x80, s1, s20, $0xb8;
	[tilespmem:$0x1C400] =	vst v63  }
0x7c: {  	_ =	swait.ge [sflag:s26], $0x4000  }
0x7d: {  	[sflag:s26] =	ssyncset.done $0x0  }
0x7e: {  	s31 =	rddreg [dreg:$0x10];
	[sflag:s26] =	ssyncadd.s32 $0xFFFFC000  }
0x7f: {  	[hbm4b:s31+s2] =	stream.linear.scatter [tilespmem:s21], [sflag:$0xA], $0x4000, $0x38;
	[tilespmem:$0x1C400] =	vst v63  }
0x80: {  	_ =	swait.ge [sflag:s24], $0x4000  }
0x81: {  	[sflag:s24] =	ssyncset.done $0x0  }
0x82: {  	s31 =	rddreg [dreg:$0x11];
	[sflag:s24] =	ssyncadd.s32 $0xFFFFC000  }
0x83: {  	[hbm4b:s31+s2] =	stream.linear.scatter [tilespmem:s19], [sflag:$0xB], $0x4000, $0x38;
	[tilespmem:$0x1C400] =	vst v63  }
0x84: {  	_ =	swait.ge [sflag:s25], $0x4000  }
0x85: {  	[sflag:s25] =	ssyncset.done $0x0  }
0x86: {  	s31 =	rddreg [dreg:$0x12];
	[sflag:s25] =	ssyncadd.s32 $0xFFFFC000  }
0x87: {  	[hbm4b:s31+s2] =	stream.linear.scatter [tilespmem:s18], [sflag:$0xC], $0x4000, $0x38;
	[tilespmem:$0x1C400] =	vst v63  }
0x88: {  	_ =	swait.ge [sflag:s23], $0x4000  }
0x89: {  	[sflag:s23] =	ssyncset.done $0x0  }
0x8a: {  	s31 =	rddreg [dreg:$0x13];
	[sflag:s23] =	ssyncadd.s32 $0xFFFFC000  }
0x8b: {  	[hbm4b:s31+s2] =	stream.linear.scatter [tilespmem:s17], [sflag:$0xD], $0x4000, $0x38;
	[tilespmem:$0x1C400] =	vst v63  }
0x8c: {  	_ =	swait.ge [sflag:s22], $0x4000  }
0x8d: {  	[sflag:s22] =	ssyncset.done $0x0  }
0x8e: {  	s31 =	rddreg [dreg:$0x14];
	[sflag:s22] =	ssyncadd.s32 $0xFFFFC000  }
0x8f: {  	[hbm4b:s31+s2] =	stream.linear.scatter [tilespmem:s16], [sflag:$0xE], $0x4000, $0x38;
	[tilespmem:$0x1C400] =	vst v63  }
0x90: {  	_ =	swait.ge [sflag:s15], $0x4000  }
0x91: {  	[sflag:s15] =	ssyncset.done $0x0  }
0x92: {  	s31 =	rddreg [dreg:$0x15];
	[sflag:s15] =	ssyncadd.s32 $0xFFFFC000  }
0x93: {  	[hbm4b:s31+s2] =	stream.linear.scatter [tilespmem:s8], [sflag:$0x8], $0x4000, $0x38;
	[tilespmem:$0x1C400] =	vst v63  }
0x94: {  	_ =	swait.ge [sflag:s11], $0x4000  }
0x95: {  	[sflag:s11] =	ssyncset.done $0x0  }
0x96: {  	s31 =	rddreg [dreg:$0x16];
	[sflag:s11] =	ssyncadd.s32 $0xFFFFC000  }
0x97: {  	[hbm4b:s31+s2] =	stream.linear.scatter [tilespmem:s7], [sflag:$0x9], $0x4000, $0x38;
	[tilespmem:$0x1C400] =	vst v63  }
0x98: {  	_ =	swait.ge [sflag:s10], $0x4000  }
0x99: {  	[sflag:s10] =	ssyncset.done $0x0  }
0x9a: {  	[sflag:s10] =	ssyncadd.s32 $0xFFFFC000  }
0x9b: {  	_ =	swait.ge [sflag:s9], $0x4000  }
0x9c: {  	[sflag:s9] =	ssyncset.done $0x0  }
0x9d: {  	[sflag:s9] =	ssyncadd.s32 $0xFFFFC000  }
0x9e: {  	_ =	swait.ge [sflag:s14], $0x4000  }
0x9f: {  	[sflag:s14] =	ssyncset.done $0x0  }
0xa0: {  	[sflag:s14] =	ssyncadd.s32 $0xFFFFC000  }
0xa1: {  	_ =	swait.ge [sflag:s12], $0x4000  }
0xa2: {  	[sflag:s12] =	ssyncset.done $0x0  }
0xa3: {  	[sflag:s12] =	ssyncadd.s32 $0xFFFFC000  }
0xa4: {  	_ =	swait.ge [sflag:s13], $0x4000  }
0xa5: {  	[sflag:s13] =	ssyncset.done $0x0  }
0xa6: {  	p1 =	sne.s32 s29, $0x1;
	[sflag:s13] =	ssyncadd.s32 $0xFFFFC000  }
.Ltmp1:
0xa7: {  	_ =	swait.ge [sflag:s6], $0x4000;
	(pc) =	sbr.rel @!p1 .LBB2_3-.Ltmp1, $4  }
0xa8: {  	[sflag:s6] =	ssyncset.done $0x0  }
0xa9: {  	[sflag:s6] =	ssyncadd.s32 $0xFFFFC000  }
0xaa: {  	p0 =	por $0x1, $0x1;
	_ =	swait.ge [sflag:s5], $0x4000  }
0xab: {  	s29 =	sadd.s32 $0xFFFFFFFF, s29;
	s31 =	rddreg [dreg:$0x6];
	[sflag:s5] =	ssyncset.done $0x0  }
.LBB2_2:
0xac: {  	[sflag:s5] =	ssyncadd.s32 $0xFFFFC000  }
0xad: {  	[tilespmem:s2], [sflag:$0xF] =	stream.strided.gather [hbm4b:s31+s20], $0x400, s30, s20, $0x38;
	[tilespmem:$0x1C400] =	vst v63  }
0xae: {  	_ =	swait.ge [sflag:s28], $0x400  }
0xaf: {  	[sflag:s28] =	ssyncset.done $0x0  }
0xb0: {  	[sflag:s28] =	ssyncadd.s32 $0xFFFFFC00  }
0xb1: {  	[tilespmem:s8], [sflag:$0x1] =	stream.indirect.gather [hbm4b:s4+s20], $0x80, s2, s20, $0xb8;
	[tilespmem:$0x1C400] =	vst v63  }
0xb2: {  	_ = 	snop  }
0xb3: {  	[tilespmem:s7], [sflag:$0x2] =	stream.indirect.gather [hbm4b:s3+s20], $0x80, s2, s20, $0xb8;
	[tilespmem:$0x1C400] =	vst v63  }
0xb4: {  	_ = 	snop  }
0xb5: {  	[tilespmem:s21], [sflag:$0x3] =	stream.indirect.gather [hbm4b:s4+s20], $0x80, s20, s20, $0xb8;
	[tilespmem:$0x1C400] =	vst v63  }
0xb6: {  	_ = 	snop  }
0xb7: {  	[tilespmem:s19], [sflag:$0x4] =	stream.indirect.gather [hbm4b:s3+s20], $0x80, s20, s20, $0xb8;
	[tilespmem:$0x1C400] =	vst v63  }
0xb8: {  	s31 =	simm.s32 $0x100  }
0xb9: {  	[tilespmem:s18], [sflag:$0x5] =	stream.indirect.gather [hbm4b:s4+s20], $0x80, s31, s20, $0xb8;
	[tilespmem:$0x1C400] =	vst v63  }
0xba: {  	_ = 	snop  }
0xbb: {  	[tilespmem:s17], [sflag:$0x6] =	stream.indirect.gather [hbm4b:s3+s20], $0x80, s31, s20, $0xb8;
	[tilespmem:$0x1C400] =	vst v63  }
0xbc: {  	s0 =	simm.s32 $0x180  }
0xbd: {  	[tilespmem:s16], [sflag:$0x7] =	stream.indirect.gather [hbm4b:s4+s20], $0x80, s0, s20, $0xb8;
	[tilespmem:$0x1C400] =	vst v63  }
0xbe: {  	_ =	swait.ge [sflag:s15], $0x4000  }
0xbf: {  	[sflag:s15] =	ssyncset.done $0x0  }
0xc0: {  	s31 =	rddreg [dreg:$0x7];
	[sflag:s15] =	ssyncadd.s32 $0xFFFFC000  }
0xc1: {  	[hbm4b:s31+s2] =	stream.linear.scatter [tilespmem:s8], [sflag:$0x8], $0x4000, $0x38;
	[tilespmem:$0x1C400] =	vst v63  }
0xc2: {  	_ =	swait.ge [sflag:s6], $0x4000  }
0xc3: {  	[sflag:s6] =	ssyncset.done $0x0  }
0xc4: {  	[sflag:s6] =	ssyncadd.s32 $0xFFFFC000  }
0xc5: {  	[tilespmem:s8], [sflag:$0x1] =	stream.indirect.gather [hbm4b:s3+s20], $0x80, s0, s20, $0xb8;
	[tilespmem:$0x1C400] =	vst v63  }
0xc6: {  	_ =	swait.ge [sflag:s11], $0x4000  }
0xc7: {  	[sflag:s11] =	ssyncset.done $0x0  }
0xc8: {  	s31 =	rddreg [dreg:$0x8];
	[sflag:s11] =	ssyncadd.s32 $0xFFFFC000  }
0xc9: {  	[hbm4b:s31+s2] =	stream.linear.scatter [tilespmem:s7], [sflag:$0x9], $0x4000, $0x38;
	[tilespmem:$0x1C400] =	vst v63  }
0xca: {  	_ =	swait.ge [sflag:s5], $0x4000  }
0xcb: {  	[sflag:s5] =	ssyncset.done $0x0  }
0xcc: {  	[sflag:s5] =	ssyncadd.s32 $0xFFFFC000  }
0xcd: {  	[tilespmem:s7], [sflag:$0x2] =	stream.indirect.gather [hbm4b:s4+s20], $0x80, s30, s20, $0xb8;
	[tilespmem:$0x1C400] =	vst v63  }
0xce: {  	_ =	swait.ge [sflag:s26], $0x4000  }
0xcf: {  	[sflag:s26] =	ssyncset.done $0x0  }
0xd0: {  	s31 =	rddreg [dreg:$0x9];
	[sflag:s26] =	ssyncadd.s32 $0xFFFFC000  }
0xd1: {  	[hbm4b:s31+s2] =	stream.linear.scatter [tilespmem:s21], [sflag:$0xA], $0x4000, $0x38;
	[tilespmem:$0x1C400] =	vst v63  }
0xd2: {  	_ =	swait.ge [sflag:s10], $0x4000  }
0xd3: {  	[sflag:s10] =	ssyncset.done $0x0  }
0xd4: {  	[sflag:s10] =	ssyncadd.s32 $0xFFFFC000  }
0xd5: {  	[tilespmem:s21], [sflag:$0x3] =	stream.indirect.gather [hbm4b:s3+s20], $0x80, s30, s20, $0xb8;
	[tilespmem:$0x1C400] =	vst v63  }
0xd6: {  	_ =	swait.ge [sflag:s24], $0x4000  }
0xd7: {  	[sflag:s24] =	ssyncset.done $0x0  }
0xd8: {  	s31 =	rddreg [dreg:$0xa];
	[sflag:s24] =	ssyncadd.s32 $0xFFFFC000  }
0xd9: {  	[hbm4b:s31+s2] =	stream.linear.scatter [tilespmem:s19], [sflag:$0xB], $0x4000, $0x38;
	[tilespmem:$0x1C400] =	vst v63  }
0xda: {  	_ =	swait.ge [sflag:s9], $0x4000  }
0xdb: {  	[sflag:s9] =	ssyncset.done $0x0  }
0xdc: {  	s0 =	simm.s32 $0x280;
	[sflag:s9] =	ssyncadd.s32 $0xFFFFC000  }
0xdd: {  	[tilespmem:s19], [sflag:$0x4] =	stream.indirect.gather [hbm4b:s4+s20], $0x80, s0, s20, $0xb8;
	[tilespmem:$0x1C400] =	vst v63  }
0xde: {  	_ =	swait.ge [sflag:s25], $0x4000  }
0xdf: {  	[sflag:s25] =	ssyncset.done $0x0  }
0xe0: {  	s31 =	rddreg [dreg:$0xb];
	[sflag:s25] =	ssyncadd.s32 $0xFFFFC000  }
0xe1: {  	[hbm4b:s31+s2] =	stream.linear.scatter [tilespmem:s18], [sflag:$0xC], $0x4000, $0x38;
	[tilespmem:$0x1C400] =	vst v63  }
0xe2: {  	_ =	swait.ge [sflag:s14], $0x4000  }
0xe3: {  	[sflag:s14] =	ssyncset.done $0x0  }
0xe4: {  	[sflag:s14] =	ssyncadd.s32 $0xFFFFC000  }
0xe5: {  	[tilespmem:s18], [sflag:$0x5] =	stream.indirect.gather [hbm4b:s3+s20], $0x80, s0, s20, $0xb8;
	[tilespmem:$0x1C400] =	vst v63  }
0xe6: {  	_ =	swait.ge [sflag:s23], $0x4000  }
0xe7: {  	[sflag:s23] =	ssyncset.done $0x0  }
0xe8: {  	s31 =	rddreg [dreg:$0xc];
	[sflag:s23] =	ssyncadd.s32 $0xFFFFC000  }
0xe9: {  	[hbm4b:s31+s2] =	stream.linear.scatter [tilespmem:s17], [sflag:$0xD], $0x4000, $0x38;
	[tilespmem:$0x1C400] =	vst v63  }
0xea: {  	_ =	swait.ge [sflag:s12], $0x4000  }
0xeb: {  	[sflag:s12] =	ssyncset.done $0x0  }
0xec: {  	s0 =	simm.s32 $0x300;
	[sflag:s12] =	ssyncadd.s32 $0xFFFFC000  }
0xed: {  	[tilespmem:s17], [sflag:$0x6] =	stream.indirect.gather [hbm4b:s4+s20], $0x80, s0, s20, $0xb8;
	[tilespmem:$0x1C400] =	vst v63  }
0xee: {  	_ =	swait.ge [sflag:s22], $0x4000  }
0xef: {  	[sflag:s22] =	ssyncset.done $0x0  }
0xf0: {  	s31 =	rddreg [dreg:$0xd];
	[sflag:s22] =	ssyncadd.s32 $0xFFFFC000  }
0xf1: {  	[hbm4b:s31+s2] =	stream.linear.scatter [tilespmem:s16], [sflag:$0xE], $0x4000, $0x38;
	[tilespmem:$0x1C400] =	vst v63  }
0xf2: {  	_ =	swait.ge [sflag:s13], $0x4000  }
0xf3: {  	[sflag:s13] =	ssyncset.done $0x0  }
0xf4: {  	[sflag:s13] =	ssyncadd.s32 $0xFFFFC000  }
0xf5: {  	[tilespmem:s16], [sflag:$0x7] =	stream.indirect.gather [hbm4b:s3+s20], $0x80, s0, s20, $0xb8;
	[tilespmem:$0x1C400] =	vst v63  }
0xf6: {  	_ =	swait.ge [sflag:s15], $0x4000  }
0xf7: {  	[sflag:s15] =	ssyncset.done $0x0  }
0xf8: {  	s31 =	rddreg [dreg:$0xe];
	[sflag:s15] =	ssyncadd.s32 $0xFFFFC000  }
0xf9: {  	[hbm4b:s31+s2] =	stream.linear.scatter [tilespmem:s8], [sflag:$0x8], $0x4000, $0x38;
	[tilespmem:$0x1C400] =	vst v63  }
0xfa: {  	_ =	swait.ge [sflag:s6], $0x4000  }
0xfb: {  	[sflag:s6] =	ssyncset.done $0x0  }
0xfc: {  	[sflag:s6] =	ssyncadd.s32 $0xFFFFC000  }
0xfd: {  	[tilespmem:s8], [sflag:$0x1] =	stream.indirect.gather [hbm4b:s4+s20], $0x80, s1, s20, $0xb8;
	[tilespmem:$0x1C400] =	vst v63  }
0xfe: {  	_ =	swait.ge [sflag:s11], $0x4000  }
0xff: {  	[sflag:s11] =	ssyncset.done $0x0  }
0x100: {  	s31 =	rddreg [dreg:$0xf];
	[sflag:s11] =	ssyncadd.s32 $0xFFFFC000  }
0x101: {  	[hbm4b:s31+s2] =	stream.linear.scatter [tilespmem:s7], [sflag:$0x9], $0x4000, $0x38;
	[tilespmem:$0x1C400] =	vst v63  }
0x102: {  	_ =	swait.ge [sflag:s5], $0x4000  }
0x103: {  	[sflag:s5] =	ssyncset.done $0x0  }
0x104: {  	[sflag:s5] =	ssyncadd.s32 $0xFFFFC000  }
0x105: {  	[tilespmem:s7], [sflag:$0x2] =	stream.indirect.gather [hbm4b:s3+s20], $0x80, s1, s20, $0xb8;
	[tilespmem:$0x1C400] =	vst v63  }
0x106: {  	_ =	swait.ge [sflag:s26], $0x4000  }
0x107: {  	[sflag:s26] =	ssyncset.done $0x0  }
0x108: {  	s31 =	rddreg [dreg:$0x10];
	[sflag:s26] =	ssyncadd.s32 $0xFFFFC000  }
0x109: {  	[hbm4b:s31+s2] =	stream.linear.scatter [tilespmem:s21], [sflag:$0xA], $0x4000, $0x38;
	[tilespmem:$0x1C400] =	vst v63  }
0x10a: {  	_ =	swait.ge [sflag:s24], $0x4000  }
0x10b: {  	[sflag:s24] =	ssyncset.done $0x0  }
0x10c: {  	s31 =	rddreg [dreg:$0x11];
	[sflag:s24] =	ssyncadd.s32 $0xFFFFC000  }
0x10d: {  	[hbm4b:s31+s2] =	stream.linear.scatter [tilespmem:s19], [sflag:$0xB], $0x4000, $0x38;
	[tilespmem:$0x1C400] =	vst v63  }
0x10e: {  	_ =	swait.ge [sflag:s25], $0x4000  }
0x10f: {  	[sflag:s25] =	ssyncset.done $0x0  }
0x110: {  	s31 =	rddreg [dreg:$0x12];
	[sflag:s25] =	ssyncadd.s32 $0xFFFFC000  }
0x111: {  	[hbm4b:s31+s2] =	stream.linear.scatter [tilespmem:s18], [sflag:$0xC], $0x4000, $0x38;
	[tilespmem:$0x1C400] =	vst v63  }
0x112: {  	_ =	swait.ge [sflag:s23], $0x4000  }
0x113: {  	[sflag:s23] =	ssyncset.done $0x0  }
0x114: {  	s31 =	rddreg [dreg:$0x13];
	[sflag:s23] =	ssyncadd.s32 $0xFFFFC000  }
0x115: {  	[hbm4b:s31+s2] =	stream.linear.scatter [tilespmem:s17], [sflag:$0xD], $0x4000, $0x38;
	[tilespmem:$0x1C400] =	vst v63  }
0x116: {  	_ =	swait.ge [sflag:s22], $0x4000  }
0x117: {  	[sflag:s22] =	ssyncset.done $0x0  }
0x118: {  	s31 =	rddreg [dreg:$0x14];
	[sflag:s22] =	ssyncadd.s32 $0xFFFFC000  }
0x119: {  	[hbm4b:s31+s2] =	stream.linear.scatter [tilespmem:s16], [sflag:$0xE], $0x4000, $0x38;
	[tilespmem:$0x1C400] =	vst v63  }
0x11a: {  	_ =	swait.ge [sflag:s15], $0x4000  }
0x11b: {  	[sflag:s15] =	ssyncset.done $0x0  }
0x11c: {  	s31 =	rddreg [dreg:$0x15];
	[sflag:s15] =	ssyncadd.s32 $0xFFFFC000  }
0x11d: {  	[hbm4b:s31+s2] =	stream.linear.scatter [tilespmem:s8], [sflag:$0x8], $0x4000, $0x38;
	[tilespmem:$0x1C400] =	vst v63  }
0x11e: {  	_ =	swait.ge [sflag:s11], $0x4000  }
0x11f: {  	[sflag:s11] =	ssyncset.done $0x0  }
0x120: {  	s31 =	rddreg [dreg:$0x16];
	[sflag:s11] =	ssyncadd.s32 $0xFFFFC000  }
0x121: {  	[hbm4b:s31+s2] =	stream.linear.scatter [tilespmem:s7], [sflag:$0x9], $0x4000, $0x38;
	[tilespmem:$0x1C400] =	vst v63  }
0x122: {  	_ =	swait.ge [sflag:s10], $0x4000  }
0x123: {  	[sflag:s10] =	ssyncset.done $0x0  }
0x124: {  	[sflag:s10] =	ssyncadd.s32 $0xFFFFC000  }
0x125: {  	_ =	swait.ge [sflag:s9], $0x4000  }
0x126: {  	[sflag:s9] =	ssyncset.done $0x0  }
0x127: {  	[sflag:s9] =	ssyncadd.s32 $0xFFFFC000  }
0x128: {  	_ =	swait.ge [sflag:s14], $0x4000  }
0x129: {  	[sflag:s14] =	ssyncset.done $0x0  }
0x12a: {  	[sflag:s14] =	ssyncadd.s32 $0xFFFFC000  }
0x12b: {  	_ =	swait.ge [sflag:s12], $0x4000  }
0x12c: {  	[sflag:s12] =	ssyncset.done $0x0  }
0x12d: {  	[sflag:s12] =	ssyncadd.s32 $0xFFFFC000  }
0x12e: {  	_ =	swait.ge [sflag:s13], $0x4000  }
0x12f: {  	[sflag:s13] =	ssyncset.done $0x0  }
0x130: {  	p1 =	sne.s32 s29, $0x1;
	[sflag:s13] =	ssyncadd.s32 $0xFFFFC000  }
.Ltmp2:
0x131: {  	_ =	swait.ge [sflag:s6], $0x4000;
	(pc) =	sbr.rel @p1 .LBB2_2-.Ltmp2, $4  }
0x132: {  	[sflag:s6] =	ssyncset.done $0x0  }
0x133: {  	[sflag:s6] =	ssyncadd.s32 $0xFFFFC000  }
0x134: {  	_ =	swait.ge [sflag:s5], $0x4000  }
0x135: {  	s29 =	sadd.s32 $0xFFFFFFFF, s29;
	s31 =	rddreg [dreg:$0x6];
	[sflag:s5] =	ssyncset.done $0x0  }
.LBB2_3:
0x136: {  	[sflag:s5] =	ssyncadd.s32 @p0 $0xFFFFC000  }
0x137: {  	[tilespmem:s2], [sflag:$0xF] =	stream.strided.gather [hbm4b:s31+s20], $0x400, s30, s20, $0x38;
	[tilespmem:$0x1C400] =	vst v63  }
0x138: {  	_ =	swait.ge [sflag:s28], $0x400  }
0x139: {  	[sflag:s28] =	ssyncset.done $0x0  }
0x13a: {  	[sflag:s28] =	ssyncadd.s32 $0xFFFFFC00  }
0x13b: {  	[tilespmem:s8], [sflag:$0x1] =	stream.indirect.gather [hbm4b:s4+s20], $0x80, s2, s20, $0xb8;
	[tilespmem:$0x1C400] =	vst v63  }
0x13c: {  	_ = 	snop  }
0x13d: {  	[tilespmem:s7], [sflag:$0x2] =	stream.indirect.gather [hbm4b:s3+s20], $0x80, s2, s20, $0xb8;
	[tilespmem:$0x1C400] =	vst v63  }
0x13e: {  	_ = 	snop  }
0x13f: {  	[tilespmem:s21], [sflag:$0x3] =	stream.indirect.gather [hbm4b:s4+s20], $0x80, s20, s20, $0xb8;
	[tilespmem:$0x1C400] =	vst v63  }
0x140: {  	_ = 	snop  }
0x141: {  	[tilespmem:s19], [sflag:$0x4] =	stream.indirect.gather [hbm4b:s3+s20], $0x80, s20, s20, $0xb8;
	[tilespmem:$0x1C400] =	vst v63  }
0x142: {  	s0 =	simm.s32 $0x100  }
0x143: {  	[tilespmem:s18], [sflag:$0x5] =	stream.indirect.gather [hbm4b:s4+s20], $0x80, s0, s20, $0xb8;
	[tilespmem:$0x1C400] =	vst v63  }
0x144: {  	_ = 	snop  }
0x145: {  	[tilespmem:s17], [sflag:$0x6] =	stream.indirect.gather [hbm4b:s3+s20], $0x80, s0, s20, $0xb8;
	[tilespmem:$0x1C400] =	vst v63  }
0x146: {  	s1 =	simm.s32 $0x180  }
0x147: {  	[tilespmem:s16], [sflag:$0x7] =	stream.indirect.gather [hbm4b:s4+s20], $0x80, s1, s20, $0xb8;
	[tilespmem:$0x1C400] =	vst v63  }
0x148: {  	_ =	swait.ge [sflag:s15], $0x4000  }
0x149: {  	[sflag:s15] =	ssyncset.done $0x0  }
0x14a: {  	s31 =	rddreg [dreg:$0x7];
	[sflag:s15] =	ssyncadd.s32 $0xFFFFC000  }
0x14b: {  	[hbm4b:s31+s2] =	stream.linear.scatter [tilespmem:s8], [sflag:$0x8], $0x4000, $0x38;
	[tilespmem:$0x1C400] =	vst v63  }
0x14c: {  	_ =	swait.ge [sflag:s6], $0x4000  }
0x14d: {  	[sflag:s6] =	ssyncset.done $0x0  }
0x14e: {  	[sflag:s6] =	ssyncadd.s32 $0xFFFFC000  }
0x14f: {  	[tilespmem:s8], [sflag:$0x1] =	stream.indirect.gather [hbm4b:s3+s20], $0x80, s1, s20, $0xb8;
	[tilespmem:$0x1C400] =	vst v63  }
0x150: {  	_ =	swait.ge [sflag:s11], $0x4000  }
0x151: {  	[sflag:s11] =	ssyncset.done $0x0  }
0x152: {  	s1 =	rddreg [dreg:$0x8];
	[sflag:s11] =	ssyncadd.s32 $0xFFFFC000  }
0x153: {  	[hbm4b:s1+s2] =	stream.linear.scatter [tilespmem:s7], [sflag:$0x9], $0x4000, $0x38;
	[tilespmem:$0x1C400] =	vst v63  }
0x154: {  	_ =	swait.ge [sflag:s5], $0x4000  }
0x155: {  	[sflag:s5] =	ssyncset.done $0x0  }
0x156: {  	[sflag:s5] =	ssyncadd.s32 $0xFFFFC000  }
0x157: {  	[tilespmem:s7], [sflag:$0x2] =	stream.indirect.gather [hbm4b:s4+s20], $0x80, s30, s20, $0xb8;
	[tilespmem:$0x1C400] =	vst v63  }
0x158: {  	_ =	swait.ge [sflag:s26], $0x4000  }
0x159: {  	[sflag:s26] =	ssyncset.done $0x0  }
0x15a: {  	s28 =	rddreg [dreg:$0x9];
	[sflag:s26] =	ssyncadd.s32 $0xFFFFC000  }
0x15b: {  	[hbm4b:s28+s2] =	stream.linear.scatter [tilespmem:s21], [sflag:$0xA], $0x4000, $0x38;
	[tilespmem:$0x1C400] =	vst v63  }
0x15c: {  	_ =	swait.ge [sflag:s10], $0x4000  }
0x15d: {  	[sflag:s10] =	ssyncset.done $0x0  }
0x15e: {  	[sflag:s10] =	ssyncadd.s32 $0xFFFFC000  }
0x15f: {  	[tilespmem:s21], [sflag:$0x3] =	stream.indirect.gather [hbm4b:s3+s20], $0x80, s30, s20, $0xb8;
	[tilespmem:$0x1C400] =	vst v63  }
0x160: {  	_ =	swait.ge [sflag:s24], $0x4000  }
0x161: {  	[sflag:s24] =	ssyncset.done $0x0  }
0x162: {  	s29 =	rddreg [dreg:$0xa];
	[sflag:s24] =	ssyncadd.s32 $0xFFFFC000  }
0x163: {  	[hbm4b:s29+s2] =	stream.linear.scatter [tilespmem:s19], [sflag:$0xB], $0x4000, $0x38;
	[tilespmem:$0x1C400] =	vst v63  }
0x164: {  	_ =	swait.ge [sflag:s9], $0x4000  }
0x165: {  	[sflag:s9] =	ssyncset.done $0x0  }
0x166: {  	s30 =	simm.s32 $0x280;
	[sflag:s9] =	ssyncadd.s32 $0xFFFFC000  }
0x167: {  	[tilespmem:s19], [sflag:$0x4] =	stream.indirect.gather [hbm4b:s4+s20], $0x80, s30, s20, $0xb8;
	[tilespmem:$0x1C400] =	vst v63  }
0x168: {  	_ =	swait.ge [sflag:s25], $0x4000  }
0x169: {  	[sflag:s25] =	ssyncset.done $0x0  }
0x16a: {  	s31 =	rddreg [dreg:$0xb];
	[sflag:s25] =	ssyncadd.s32 $0xFFFFC000  }
0x16b: {  	[hbm4b:s31+s2] =	stream.linear.scatter [tilespmem:s18], [sflag:$0xC], $0x4000, $0x38;
	[tilespmem:$0x1C400] =	vst v63  }
0x16c: {  	_ =	swait.ge [sflag:s14], $0x4000  }
0x16d: {  	[sflag:s14] =	ssyncset.done $0x0  }
0x16e: {  	[sflag:s14] =	ssyncadd.s32 $0xFFFFC000  }
0x16f: {  	[tilespmem:s18], [sflag:$0x5] =	stream.indirect.gather [hbm4b:s3+s20], $0x80, s30, s20, $0xb8;
	[tilespmem:$0x1C400] =	vst v63  }
0x170: {  	_ =	swait.ge [sflag:s23], $0x4000  }
0x171: {  	[sflag:s23] =	ssyncset.done $0x0  }
0x172: {  	s1 =	rddreg [dreg:$0xc];
	[sflag:s23] =	ssyncadd.s32 $0xFFFFC000  }
0x173: {  	[hbm4b:s1+s2] =	stream.linear.scatter [tilespmem:s17], [sflag:$0xD], $0x4000, $0x38;
	[tilespmem:$0x1C400] =	vst v63  }
0x174: {  	_ =	swait.ge [sflag:s12], $0x4000  }
0x175: {  	[sflag:s12] =	ssyncset.done $0x0  }
0x176: {  	s28 =	simm.s32 $0x300;
	[sflag:s12] =	ssyncadd.s32 $0xFFFFC000  }
0x177: {  	[tilespmem:s17], [sflag:$0x6] =	stream.indirect.gather [hbm4b:s4+s20], $0x80, s28, s20, $0xb8;
	[tilespmem:$0x1C400] =	vst v63  }
0x178: {  	_ =	swait.ge [sflag:s22], $0x4000  }
0x179: {  	[sflag:s22] =	ssyncset.done $0x0  }
0x17a: {  	s29 =	rddreg [dreg:$0xd];
	[sflag:s22] =	ssyncadd.s32 $0xFFFFC000  }
0x17b: {  	[hbm4b:s29+s2] =	stream.linear.scatter [tilespmem:s16], [sflag:$0xE], $0x4000, $0x38;
	[tilespmem:$0x1C400] =	vst v63  }
0x17c: {  	_ =	swait.ge [sflag:s13], $0x4000  }
0x17d: {  	[sflag:s13] =	ssyncset.done $0x0  }
0x17e: {  	[sflag:s13] =	ssyncadd.s32 $0xFFFFC000  }
0x17f: {  	[tilespmem:s16], [sflag:$0x7] =	stream.indirect.gather [hbm4b:s3+s20], $0x80, s28, s20, $0xb8;
	[tilespmem:$0x1C400] =	vst v63  }
0x180: {  	_ =	swait.ge [sflag:s15], $0x4000  }
0x181: {  	[sflag:s15] =	ssyncset.done $0x0  }
0x182: {  	s30 =	rddreg [dreg:$0xe];
	[sflag:s15] =	ssyncadd.s32 $0xFFFFC000  }
0x183: {  	[hbm4b:s30+s2] =	stream.linear.scatter [tilespmem:s8], [sflag:$0x8], $0x4000, $0x38;
	[tilespmem:$0x1C400] =	vst v63  }
0x184: {  	_ =	swait.ge [sflag:s6], $0x4000  }
0x185: {  	[sflag:s6] =	ssyncset.done $0x0  }
0x186: {  	s31 =	simm.s32 $0x380;
	[sflag:s6] =	ssyncadd.s32 $0xFFFFC000  }
0x187: {  	[tilespmem:s8], [sflag:$0x1] =	stream.indirect.gather [hbm4b:s4+s20], $0x80, s31, s20, $0xb8;
	[tilespmem:$0x1C400] =	vst v63  }
0x188: {  	_ =	swait.ge [sflag:s11], $0x4000  }
0x189: {  	[sflag:s11] =	ssyncset.done $0x0  }
0x18a: {  	s4 =	rddreg [dreg:$0xf];
	[sflag:s11] =	ssyncadd.s32 $0xFFFFC000  }
0x18b: {  	[hbm4b:s4+s2] =	stream.linear.scatter [tilespmem:s7], [sflag:$0x9], $0x4000, $0x38;
	[tilespmem:$0x1C400] =	vst v63  }
0x18c: {  	_ =	swait.ge [sflag:s5], $0x4000  }
0x18d: {  	[sflag:s5] =	ssyncset.done $0x0  }
0x18e: {  	[sflag:s5] =	ssyncadd.s32 $0xFFFFC000  }
0x18f: {  	[tilespmem:s7], [sflag:$0x2] =	stream.indirect.gather [hbm4b:s3+s20], $0x80, s31, s20, $0xb8;
	[tilespmem:$0x1C400] =	vst v63  }
0x190: {  	_ =	swait.ge [sflag:s26], $0x4000  }
0x191: {  	[sflag:s26] =	ssyncset.done $0x0  }
0x192: {  	s20 =	rddreg [dreg:$0x10];
	[sflag:s26] =	ssyncadd.s32 $0xFFFFC000  }
0x193: {  	[hbm4b:s20+s2] =	stream.linear.scatter [tilespmem:s21], [sflag:$0xA], $0x4000, $0x38;
	[tilespmem:$0x1C400] =	vst v63  }
0x194: {  	_ =	swait.ge [sflag:s24], $0x4000  }
0x195: {  	[sflag:s24] =	ssyncset.done $0x0  }
0x196: {  	s21 =	rddreg [dreg:$0x11];
	[sflag:s24] =	ssyncadd.s32 $0xFFFFC000  }
0x197: {  	[hbm4b:s21+s2] =	stream.linear.scatter [tilespmem:s19], [sflag:$0xB], $0x4000, $0x38;
	[tilespmem:$0x1C400] =	vst v63  }
0x198: {  	_ =	swait.ge [sflag:s25], $0x4000  }
0x199: {  	[sflag:s25] =	ssyncset.done $0x0  }
0x19a: {  	s24 =	rddreg [dreg:$0x12];
	[sflag:s25] =	ssyncadd.s32 $0xFFFFC000  }
0x19b: {  	[hbm4b:s24+s2] =	stream.linear.scatter [tilespmem:s18], [sflag:$0xC], $0x4000, $0x38;
	[tilespmem:$0x1C400] =	vst v63  }
0x19c: {  	_ =	swait.ge [sflag:s23], $0x4000  }
0x19d: {  	[sflag:s23] =	ssyncset.done $0x0  }
0x19e: {  	s26 =	rddreg [dreg:$0x13];
	[sflag:s23] =	ssyncadd.s32 $0xFFFFC000  }
0x19f: {  	[hbm4b:s26+s2] =	stream.linear.scatter [tilespmem:s17], [sflag:$0xD], $0x4000, $0x38;
	[tilespmem:$0x1C400] =	vst v63  }
0x1a0: {  	_ =	swait.ge [sflag:s22], $0x4000  }
0x1a1: {  	[sflag:s22] =	ssyncset.done $0x0  }
0x1a2: {  	s28 =	rddreg [dreg:$0x14];
	[sflag:s22] =	ssyncadd.s32 $0xFFFFC000  }
0x1a3: {  	[hbm4b:s28+s2] =	stream.linear.scatter [tilespmem:s16], [sflag:$0xE], $0x4000, $0x38;
	[tilespmem:$0x1C400] =	vst v63  }
0x1a4: {  	_ =	swait.ge [sflag:s15], $0x4000  }
0x1a5: {  	[sflag:s15] =	ssyncset.done $0x0  }
0x1a6: {  	s29 =	rddreg [dreg:$0x15];
	[sflag:s15] =	ssyncadd.s32 $0xFFFFC000  }
0x1a7: {  	[hbm4b:s29+s2] =	stream.linear.scatter [tilespmem:s8], [sflag:$0x8], $0x4000, $0x38;
	[tilespmem:$0x1C400] =	vst v63  }
0x1a8: {  	_ =	swait.ge [sflag:s11], $0x4000  }
0x1a9: {  	[sflag:s11] =	ssyncset.done $0x0  }
0x1aa: {  	s30 =	rddreg [dreg:$0x16];
	[sflag:s11] =	ssyncadd.s32 $0xFFFFC000  }
0x1ab: {  	[hbm4b:s30+s2] =	stream.linear.scatter [tilespmem:s7], [sflag:$0x9], $0x4000, $0x38;
	[tilespmem:$0x1C400] =	vst v63  }
0x1ac: {  	_ =	swait.ge [sflag:s10], $0x4000  }
0x1ad: {  	[sflag:s10] =	ssyncset.done $0x0  }
0x1ae: {  	[sflag:s10] =	ssyncadd.s32 $0xFFFFC000  }
0x1af: {  	_ =	swait.ge [sflag:s9], $0x4000  }
0x1b0: {  	[sflag:s9] =	ssyncset.done $0x0  }
0x1b1: {  	[sflag:s9] =	ssyncadd.s32 $0xFFFFC000  }
0x1b2: {  	_ =	swait.ge [sflag:s14], $0x4000  }
0x1b3: {  	[sflag:s14] =	ssyncset.done $0x0  }
0x1b4: {  	[sflag:s14] =	ssyncadd.s32 $0xFFFFC000  }
0x1b5: {  	_ =	swait.ge [sflag:s12], $0x4000  }
0x1b6: {  	[sflag:s12] =	ssyncset.done $0x0  }
0x1b7: {  	[sflag:s12] =	ssyncadd.s32 $0xFFFFC000  }
0x1b8: {  	_ =	swait.ge [sflag:s13], $0x4000  }
0x1b9: {  	[sflag:s13] =	ssyncset.done $0x0  }
0x1ba: {  	[sflag:s13] =	ssyncadd.s32 $0xFFFFC000  }
0x1bb: {  	_ =	swait.ge [sflag:s6], $0x4000  }
0x1bc: {  	[sflag:s6] =	ssyncset.done $0x0  }
0x1bd: {  	[sflag:s6] =	ssyncadd.s32 $0xFFFFC000  }
0x1be: {  	_ =	swait.ge [sflag:s5], $0x4000  }
0x1bf: {  	[sflag:s5] =	ssyncset.done $0x0  }
0x1c0: {  	[sflag:s5] =	ssyncadd.s32 $0xFFFFC000  }
0x1c1: {  	_ =	sfence.sel $0x180000  }
0x1c2: {  	[bflag:$0x0] =	sbarrier.arrive $0xFFFF  }
0x1c3: {  	_ =	strace $0x90000047  }
0x1c4: {  	s31 =	stileid.u32;
	[bflag:$0x2] =	sbarrier.arrive $0xFFFF  }
0x1c5: {  	p0 =	sne.s32 s31, $0x0;
	s0 =	rddreg [dreg:$0x5]  }
0x1c6: {  	s0 =	sadd.s32 @!p0 $0x100000, s0  }
0x1c7: {  	[sflag:s0] =	ssyncadd.tile.s32 @!p0 $0x1;
	_ =	shalt  }
.Lfunc_end2:
_tile_overlayer_lowered:
.L_overlay_start_2:
0x1c8: {  	(tag) =	ssettag $0x2  }
0x1c9: {  	s0 =	rddreg [dreg:$0x0];
	s2 =	stileid.u32  }
0x1ca: {  	s1 =	rddreg [dreg:$0x1];
	p0 =	sne.s32 s2, $0x0  }
0x1cb: {  	s3 =	rddreg [dreg:$0x2];
	[bflag:$0x3] =	sbarrier.arrive $0xFFFF;
	s2 =	simm.s32 @!p0 $0x1C0F  }
0x1cc: {  	[timem:s3], [sflag:s2] =	dma.local @!p0 [hbm:s0], s1  }
0x1cd: {  	s0 =	simm.s32 @!p0 $0xF  }
0x1ce: {  	_ =	swait.ge @!p0 [sflag:s0], s1  }
0x1cf: {  	s1 =	ssub.s32 @!p0 $0x0, s1;
	[sflag:s0] =	ssyncset.done @!p0 $0x0  }
0x1d0: {  	[sflag:s0] =	ssyncadd.s32 @!p0 s1  }
0x1d1: {  	[bflag:$0x3] =	sbarrier.arrive $0xFFFF  }
0x1d2: {  	_ =	shalt  }

</sc_bundles>
